<compile_context>
chip_gen: v7x
topology: tpu7x:2x2x1
jax: 0.10.2.dev20260603
libtpu: 0.0.44.dev20260713+nightly
codegen_flags: <defaults>
</compile_context>

<pallas_src>
import functools

import jax
import jax.numpy as jnp
from jax import lax
from jax.experimental import pallas as pl
from jax.experimental.pallas import tpu as pltpu
from jax.experimental.pallas import tpu_sc as plsc

N = 4096
C = 16
M = 65536
NE = 4
NY = 10
H = 128

NCORE = 2
NSUB = 16
NWORK = NCORE * NSUB
PAIRS = 2 * M
PER_TEC = PAIRS // NWORK
CHUNK = 128
N_CHUNKS = PER_TEC // CHUNK
ROWS_PER_TEC = N // NSUB


_KX = (0x6D3E048F, 0x1022172D)
_KE = (0x03D7B32D, 0xADD083F4)


def _tf_uniform(key, flat_idx):
    k0 = jnp.uint32(key[0])
    k1 = jnp.uint32(key[1])
    ks = (k0, k1, k0 ^ k1 ^ jnp.uint32(0x1BD11BDA))
    rot = ((13, 15, 26, 6), (17, 29, 16, 24))
    x1 = flat_idx.astype(jnp.uint32)
    x0 = jnp.zeros_like(x1) + ks[0]
    x1 = x1 + ks[1]
    for i in range(5):
        for r in rot[i % 2]:
            x0 = x0 + x1
            x1 = (x1 << jnp.uint32(r)) | (x1 >> jnp.uint32(32 - r))
            x1 = x1 ^ x0
        x0 = x0 + ks[(i + 1) % 3]
        x1 = x1 + ks[(i + 2) % 3] + jnp.uint32(i + 1)
    bits = x0 ^ x1
    fl = lax.bitcast_convert_type(
        (bits >> jnp.uint32(9)) | jnp.uint32(0x3F800000), jnp.float32) - 1.0
    tiny = jnp.finfo(jnp.float32).tiny
    return jnp.maximum(tiny, fl * (1.0 - tiny) + tiny)


def _tc_sample_body(lx_ref, let_ref, src_ref, dst_ref, w1_ref,
                    h_ref, g_ref, s_ref):
    lx = lx_ref[...]
    ii = lax.broadcasted_iota(jnp.int32, (N, C), 1)
    ir = lax.broadcasted_iota(jnp.int32, (N, C), 0)
    ux = _tf_uniform(_KX, ir * C + ii)
    gx = -jnp.log(-jnp.log(ux))
    sx = lx + gx
    amax = jnp.max(sx, axis=1, keepdims=True)
    idxm = jnp.min(jnp.where(sx >= amax, ii, C), axis=1, keepdims=True)
    oh = (ii == idxm).astype(jnp.float32)
    h_ref[...] = jnp.dot(oh, w1_ref[...], preferred_element_type=jnp.float32)

    er = lax.broadcasted_iota(jnp.int32, (M // 128, 128), 0)
    el = lax.broadcasted_iota(jnp.int32, (M // 128, 128), 1)
    jj4 = (er * 128 + el) * NE
    sc = []
    for c in range(NE):
        uc = _tf_uniform(_KE, jj4 + c)
        sc.append(let_ref[c] - jnp.log(-jnp.log(uc)))
    s0, s1, s2, s3 = sc
    m = (s1 > s0) | (s2 > s0) | (s3 > s0)
    src = src_ref[...]
    dst = dst_ref[...]
    trash = jnp.full(src.shape, N, dtype=jnp.int32)
    g_ref[0] = dst
    g_ref[1] = src
    s_ref[0] = jnp.where(m, src, trash)
    s_ref[1] = jnp.where(m, dst, trash)


_tc_sample = pl.pallas_call(
    _tc_sample_body,
    out_shape=[
        jax.ShapeDtypeStruct((N, H), jnp.float32),
        jax.ShapeDtypeStruct((2, M // 128, 128), jnp.int32),
        jax.ShapeDtypeStruct((2, M // 128, 128), jnp.int32),
    ],
)


_NBUF = 4


def _sc_agg_body(h_hbm, g_hbm, s_hbm, out_hbm, g_all, s_all, rows, gsems, ssems,
                 agg_sh):
    cid = lax.axis_index("c")
    sid = lax.axis_index("s")
    wid = cid * NSUB + sid
    blk = wid * N_CHUNKS

    pltpu.sync_copy(g_hbm.at[pl.ds(blk, N_CHUNKS)], g_all)
    pltpu.sync_copy(s_hbm.at[pl.ds(blk, N_CHUNKS)], s_all)
    for k in range(_NBUF):
        pltpu.async_copy(h_hbm.at[g_all.at[k]], rows[k], gsems[k])

    for hop in range(ROWS_PER_TEC // CHUNK):
        r0 = sid * ROWS_PER_TEC + hop * CHUNK
        pltpu.sync_copy(h_hbm.at[pl.ds(r0, CHUNK)], agg_sh.at[pl.ds(r0, CHUNK)])
    plsc.subcore_barrier()

    def step(i, carry):
        scat = []
        for k in range(_NBUF):
            j = _NBUF * i + k
            pltpu.make_async_copy(
                h_hbm.at[pl.ds(0, CHUNK)], rows[k], gsems[k]).wait()
            scat.append(pltpu.async_copy(
                rows[k], agg_sh.at[s_all.at[j]], ssems[k], add=True))
        for k in range(_NBUF):
            scat[k].wait()

            @pl.when(i < N_CHUNKS // _NBUF - 1)
            def _():
                pltpu.async_copy(
                    h_hbm.at[g_all.at[_NBUF * (i + 1) + k]], rows[k], gsems[k])
        return carry

    lax.fori_loop(0, N_CHUNKS // _NBUF, step, 0)
    plsc.subcore_barrier()

    for hop in range(ROWS_PER_TEC // CHUNK):
        r0 = sid * ROWS_PER_TEC + hop * CHUNK
        pltpu.sync_copy(agg_sh.at[pl.ds(r0, CHUNK)], rows[0])
        pltpu.sync_copy(rows[0], out_hbm.at[cid, pl.ds(r0, CHUNK)])


@functools.lru_cache(maxsize=None)
def _get_sc_agg():
    return pl.kernel(
        _sc_agg_body,
        out_type=jax.ShapeDtypeStruct((NCORE, N, H), jnp.float32),
        mesh=plsc.VectorSubcoreMesh(core_axis_name="c", subcore_axis_name="s",
                                    num_cores=NCORE, num_subcores=NSUB),
        scratch_types=[
            pltpu.VMEM((N_CHUNKS, CHUNK), jnp.int32),
            pltpu.VMEM((N_CHUNKS, CHUNK), jnp.int32),
            [pltpu.VMEM((CHUNK, H), jnp.float32) for _ in range(_NBUF)],
            [pltpu.SemaphoreType.DMA for _ in range(_NBUF)],
            [pltpu.SemaphoreType.DMA for _ in range(_NBUF)],
            pltpu.VMEM_SHARED((N + 8, H), jnp.float32),
        ],
    )


def _tc_head_body(a_ref, h_ref, w2_ref, ohy_ref, loss_ref):
    z = jnp.maximum(a_ref[0] + a_ref[1] - h_ref[...], 0.0)
    ly = jnp.dot(z, w2_ref[...], preferred_element_type=jnp.float32)
    mx = jnp.max(ly, axis=1, keepdims=True)
    lse = jnp.log(jnp.sum(jnp.exp(ly - mx), axis=1, keepdims=True)) + mx
    logp = ly - lse
    loss_ref[...] = jnp.reshape(-jnp.sum(logp * ohy_ref[...]) / N, (1, 1))


_tc_head = pl.pallas_call(
    _tc_head_body,
    out_shape=jax.ShapeDtypeStruct((1, 1), jnp.float32),
)


def kernel(logit_X, logit_E, Y, src, dst, W1, W2):
    leT = logit_E.T.reshape(NE, M // 128, 128)
    srcR = src.astype(jnp.int32).reshape(M // 128, 128)
    dstR = dst.astype(jnp.int32).reshape(M // 128, 128)
    h, g, s = _tc_sample(logit_X, leT, srcR, dstR, W1)
    a = _get_sc_agg()(h, g.reshape(PAIRS // CHUNK, CHUNK),
                      s.reshape(PAIRS // CHUNK, CHUNK))
    ohY = jax.nn.one_hot(Y, NY, dtype=jnp.float32)
    loss = _tc_head(a, h, W2, ohY)
    return loss.reshape(())

# --- scband reference (transcript-rebuilt; emitter-appended) ---
"""Pipeline reference for scband-loss-y-with-x-19396072308964 (READ-ONLY COPY).

The authoritative reference and input builder live on the scoring server;
editing this copy changes nothing except your own understanding.
"""

import jax, jax.numpy as jnp
import numpy as np

N = 4096
C = 16
M = 65536
NE = 4
NY = 10
H = 128


def setup_inputs(seed: int = 0) -> dict:
    key = jax.random.key(seed)
    ks = jax.random.split(key, 8)
    return {
        "logit_X": jax.random.normal(ks[0], (N, C), dtype=jnp.float32),
        "logit_E": jax.random.normal(ks[1], (M, NE), dtype=jnp.float32),
        "Y": jax.random.randint(ks[2], (N,), 0, NY, dtype=jnp.int32),
        "src": jax.random.randint(ks[3], (M,), 0, N, dtype=jnp.int32),
        "dst": jax.random.randint(ks[4], (M,), 0, N, dtype=jnp.int32),
        "W1": jax.random.normal(ks[5], (C, H), dtype=jnp.float32) * 0.05,
        "W2": jax.random.normal(ks[6], (H, NY), dtype=jnp.float32) * 0.05,
    }


def _classifier(X, E_index, W1, W2):
    # simple message-passing classifier: linear -> neighbor sum -> relu -> linear
    h = X @ W1
    agg = jax.ops.segment_sum(h[E_index[0]], E_index[1], num_segments=X.shape[0])
    return jax.nn.relu(agg) @ W2


def _sample_X(probs_CN, key):
    # probs_CN: [C, N]; sample one class per node, return one-hot features [N, C]
    idx = jax.random.categorical(key, jnp.log(probs_CN.T + 1e-20), axis=-1)
    return jax.nn.one_hot(idx, probs_CN.shape[0], dtype=jnp.float32)


def reference(logit_X, logit_E, Y, src, dst, W1, W2):
    kX = jax.random.fold_in(jax.random.key(42), 0)
    kE = jax.random.fold_in(jax.random.key(42), 1)
    probs_X = jax.nn.softmax(logit_X, axis=-1)
    probs_X = probs_X.T  # [C, N]
    num_nodes = probs_X.shape[1]
    X = _sample_X(probs_X, kX)  # [N, C]
    probs_E = jax.nn.softmax(logit_E, axis=-1)
    E_ = jax.random.categorical(kE, jnp.log(probs_E + 1e-20), axis=-1).astype(jnp.int32)
    src_i = src.astype(jnp.int32)
    dst_i = dst.astype(jnp.int32)
    E = jnp.zeros((num_nodes, num_nodes), dtype=jnp.int32)
    E = E.at[dst_i, src_i].set(E_)
    E = E.at[src_i, dst_i].set(E_)
    E = E + jnp.eye(num_nodes, dtype=jnp.int32)
    num_edges = src.shape[0]
    E_index = jnp.stack(
        jnp.nonzero(E, size=2 * num_edges + num_nodes, fill_value=(0, num_nodes))
    )  # [2, nnz]
    logit_Y = _classifier(X, E_index, W1, W2)
    logp = jax.nn.log_softmax(logit_Y, axis=-1)
    loss_Y = -jnp.mean(jnp.take_along_axis(logp, Y.astype(jnp.int32)[:, None], axis=1))
    return loss_Y

if __name__ == "__main__":
    import jax
    _d = setup_inputs()
    print(jax.jit(kernel)(*tuple(_d.values())))

</pallas_src>

<mosaic_0001>
#map = affine_map<(d0, d1) -> (0, 0)>
#map1 = affine_map<(d0, d1) -> (0, 0, 0)>
module attributes {stable_mosaic.version = 14 : i64} {
  func.func @_sc_agg_body(%arg0: i32, %arg1: i32, %arg2: memref<4096x128xf32, #tpu.memory_space<hbm>>, %arg3: memref<1024x128xi32, #tpu.memory_space<hbm>>, %arg4: memref<1024x128xi32, #tpu.memory_space<hbm>>, %arg5: memref<2x4096x128xf32, #tpu.memory_space<hbm>>, %arg6: memref<32x128xi32, #tpu.memory_space<vmem>>, %arg7: memref<32x128xi32, #tpu.memory_space<vmem>>, %arg8: memref<128x128xf32, #tpu.memory_space<vmem>>, %arg9: memref<128x128xf32, #tpu.memory_space<vmem>>, %arg10: memref<128x128xf32, #tpu.memory_space<vmem>>, %arg11: memref<128x128xf32, #tpu.memory_space<vmem>>, %arg12: memref<!tpu.dma_semaphore, #tpu.memory_space<semaphore_mem>>, %arg13: memref<!tpu.dma_semaphore, #tpu.memory_space<semaphore_mem>>, %arg14: memref<!tpu.dma_semaphore, #tpu.memory_space<semaphore_mem>>, %arg15: memref<!tpu.dma_semaphore, #tpu.memory_space<semaphore_mem>>, %arg16: memref<!tpu.dma_semaphore, #tpu.memory_space<semaphore_mem>>, %arg17: memref<!tpu.dma_semaphore, #tpu.memory_space<semaphore_mem>>, %arg18: memref<!tpu.dma_semaphore, #tpu.memory_space<semaphore_mem>>, %arg19: memref<!tpu.dma_semaphore, #tpu.memory_space<semaphore_mem>>, %arg20: memref<4104x128xf32, #tpu.memory_space<vmem_shared>>) attributes {dimension_semantics = [#tpu.dimension_semantics<core_parallel>, #tpu.dimension_semantics<subcore_parallel>], iteration_bounds = array<i64: 2, 16>, scalar_prefetch = 0 : i64, scratch_operands = 15 : i64, tpu.core_type = #tpu.core_type<sc_vector_subcore>, window_params = [{transform_indices = #map}, {transform_indices = #map}, {transform_indices = #map}, {transform_indices = #map1}]} {
    %mul3A = arith.constant 16 : i32
    %mul3A_0 = arith.muli %arg0, %mul3A : i32
    %add3A = arith.addi %mul3A_0, %arg1 : i32
    %mul3A_1 = arith.constant 32 : i32
    %mul3A_2 = arith.muli %add3A, %mul3A_1 : i32
    "tpu.region"() ({
      %run_scoped3A = tpu.sem_alloc : memref<!tpu.dma_semaphore, #tpu.memory_space<semaphore_mem>>
      %dma_start3A_52 = arith.constant 0 : i32
      %dma_start3A_53 = tpu.memref_slice %arg3[%mul3A_2, %dma_start3A_52] : memref<1024x128xi32, #tpu.memory_space<hbm>> -> memref<32x128xi32, #tpu.memory_space<hbm>>
      %dma_start3A_54 = arith.constant 0 : i32
      %dma_start3A_55 = tpu.memref_slice %arg3[%mul3A_2, %dma_start3A_54] : memref<1024x128xi32, #tpu.memory_space<hbm>> -> memref<32x128xi32, #tpu.memory_space<hbm>>
      tpu.enqueue_dma source(%dma_start3A_55 : memref<32x128xi32, #tpu.memory_space<hbm>>) target(%arg6 : memref<32x128xi32, #tpu.memory_space<vmem>>) target_semaphore(%run_scoped3A : memref<!tpu.dma_semaphore, #tpu.memory_space<semaphore_mem>>)
      %dma_wait3A = arith.constant 0 : i32
      %dma_wait3A_56 = tpu.memref_slice %arg3[%mul3A_2, %dma_wait3A] : memref<1024x128xi32, #tpu.memory_space<hbm>> -> memref<32x128xi32, #tpu.memory_space<hbm>>
      %dma_wait3A_57 = arith.constant 0 : i32
      %dma_wait3A_58 = tpu.memref_slice %arg3[%mul3A_2, %dma_wait3A_57] : memref<1024x128xi32, #tpu.memory_space<hbm>> -> memref<32x128xi32, #tpu.memory_space<hbm>>
      tpu.wait_dma2 semaphore(%run_scoped3A : memref<!tpu.dma_semaphore, #tpu.memory_space<semaphore_mem>>) src(%dma_wait3A_58 : memref<32x128xi32, #tpu.memory_space<hbm>>) dst(%arg6 : memref<32x128xi32, #tpu.memory_space<vmem>>)
      tpu.yield
    }) : () -> ()
    "tpu.region"() ({
      %run_scoped3A = tpu.sem_alloc : memref<!tpu.dma_semaphore, #tpu.memory_space<semaphore_mem>>
      %dma_start3A_52 = arith.constant 0 : i32
      %dma_start3A_53 = tpu.memref_slice %arg4[%mul3A_2, %dma_start3A_52] : memref<1024x128xi32, #tpu.memory_space<hbm>> -> memref<32x128xi32, #tpu.memory_space<hbm>>
      %dma_start3A_54 = arith.constant 0 : i32
      %dma_start3A_55 = tpu.memref_slice %arg4[%mul3A_2, %dma_start3A_54] : memref<1024x128xi32, #tpu.memory_space<hbm>> -> memref<32x128xi32, #tpu.memory_space<hbm>>
      tpu.enqueue_dma source(%dma_start3A_55 : memref<32x128xi32, #tpu.memory_space<hbm>>) target(%arg7 : memref<32x128xi32, #tpu.memory_space<vmem>>) target_semaphore(%run_scoped3A : memref<!tpu.dma_semaphore, #tpu.memory_space<semaphore_mem>>)
      %dma_wait3A = arith.constant 0 : i32
      %dma_wait3A_56 = tpu.memref_slice %arg4[%mul3A_2, %dma_wait3A] : memref<1024x128xi32, #tpu.memory_space<hbm>> -> memref<32x128xi32, #tpu.memory_space<hbm>>
      %dma_wait3A_57 = arith.constant 0 : i32
      %dma_wait3A_58 = tpu.memref_slice %arg4[%mul3A_2, %dma_wait3A_57] : memref<1024x128xi32, #tpu.memory_space<hbm>> -> memref<32x128xi32, #tpu.memory_space<hbm>>
      tpu.wait_dma2 semaphore(%run_scoped3A : memref<!tpu.dma_semaphore, #tpu.memory_space<semaphore_mem>>) src(%dma_wait3A_58 : memref<32x128xi32, #tpu.memory_space<hbm>>) dst(%arg7 : memref<32x128xi32, #tpu.memory_space<vmem>>)
      tpu.yield
    }) : () -> ()
    %dma_start3A = arith.constant 0 : i32
    %dma_start3A_3 = arith.constant 0 : i32
    %dma_start3A_4 = tpu.memref_slice %arg6[%dma_start3A, %dma_start3A_3] : memref<32x128xi32, #tpu.memory_space<vmem>> -> memref<1x128xi32, #tpu.memory_space<vmem>>
    %dma_start3A_5 = tpu.memref_squeeze %dma_start3A_4 : memref<1x128xi32, #tpu.memory_space<vmem>> -> memref<128xi32, #tpu.memory_space<vmem>>
    %dma_start3A_6 = arith.constant 0 : i32
    %dma_start3A_7 = arith.constant 0 : i32
    %dma_start3A_8 = tpu.memref_slice %arg2[%dma_start3A_6, %dma_start3A_7] : memref<4096x128xf32, #tpu.memory_space<hbm>> -> memref<4096x128xf32, #tpu.memory_space<hbm>>
    tpu.enqueue_indirect_dma source(%dma_start3A_8 : memref<4096x128xf32, #tpu.memory_space<hbm>>) target(%arg8 : memref<128x128xf32, #tpu.memory_space<vmem>>) offsets(%dma_start3A_5 : memref<128xi32, #tpu.memory_space<vmem>>) semaphore(%arg12 : memref<!tpu.dma_semaphore, #tpu.memory_space<semaphore_mem>>)
    %dma_start3A_9 = arith.constant 1 : i32
    %dma_start3A_10 = arith.constant 0 : i32
    %dma_start3A_11 = tpu.memref_slice %arg6[%dma_start3A_9, %dma_start3A_10] : memref<32x128xi32, #tpu.memory_space<vmem>> -> memref<1x128xi32, #tpu.memory_space<vmem>>
    %dma_start3A_12 = tpu.memref_squeeze %dma_start3A_11 : memref<1x128xi32, #tpu.memory_space<vmem>> -> memref<128xi32, #tpu.memory_space<vmem>>
    %dma_start3A_13 = arith.constant 0 : i32
    %dma_start3A_14 = arith.constant 0 : i32
    %dma_start3A_15 = tpu.memref_slice %arg2[%dma_start3A_13, %dma_start3A_14] : memref<4096x128xf32, #tpu.memory_space<hbm>> -> memref<4096x128xf32, #tpu.memory_space<hbm>>
    tpu.enqueue_indirect_dma source(%dma_start3A_15 : memref<4096x128xf32, #tpu.memory_space<hbm>>) target(%arg9 : memref<128x128xf32, #tpu.memory_space<vmem>>) offsets(%dma_start3A_12 : memref<128xi32, #tpu.memory_space<vmem>>) semaphore(%arg13 : memref<!tpu.dma_semaphore, #tpu.memory_space<semaphore_mem>>)
    %dma_start3A_16 = arith.constant 2 : i32
    %dma_start3A_17 = arith.constant 0 : i32
    %dma_start3A_18 = tpu.memref_slice %arg6[%dma_start3A_16, %dma_start3A_17] : memref<32x128xi32, #tpu.memory_space<vmem>> -> memref<1x128xi32, #tpu.memory_space<vmem>>
    %dma_start3A_19 = tpu.memref_squeeze %dma_start3A_18 : memref<1x128xi32, #tpu.memory_space<vmem>> -> memref<128xi32, #tpu.memory_space<vmem>>
    %dma_start3A_20 = arith.constant 0 : i32
    %dma_start3A_21 = arith.constant 0 : i32
    %dma_start3A_22 = tpu.memref_slice %arg2[%dma_start3A_20, %dma_start3A_21] : memref<4096x128xf32, #tpu.memory_space<hbm>> -> memref<4096x128xf32, #tpu.memory_space<hbm>>
    tpu.enqueue_indirect_dma source(%dma_start3A_22 : memref<4096x128xf32, #tpu.memory_space<hbm>>) target(%arg10 : memref<128x128xf32, #tpu.memory_space<vmem>>) offsets(%dma_start3A_19 : memref<128xi32, #tpu.memory_space<vmem>>) semaphore(%arg14 : memref<!tpu.dma_semaphore, #tpu.memory_space<semaphore_mem>>)
    %dma_start3A_23 = arith.constant 3 : i32
    %dma_start3A_24 = arith.constant 0 : i32
    %dma_start3A_25 = tpu.memref_slice %arg6[%dma_start3A_23, %dma_start3A_24] : memref<32x128xi32, #tpu.memory_space<vmem>> -> memref<1x128xi32, #tpu.memory_space<vmem>>
    %dma_start3A_26 = tpu.memref_squeeze %dma_start3A_25 : memref<1x128xi32, #tpu.memory_space<vmem>> -> memref<128xi32, #tpu.memory_space<vmem>>
    %dma_start3A_27 = arith.constant 0 : i32
    %dma_start3A_28 = arith.constant 0 : i32
    %dma_start3A_29 = tpu.memref_slice %arg2[%dma_start3A_27, %dma_start3A_28] : memref<4096x128xf32, #tpu.memory_space<hbm>> -> memref<4096x128xf32, #tpu.memory_space<hbm>>
    tpu.enqueue_indirect_dma source(%dma_start3A_29 : memref<4096x128xf32, #tpu.memory_space<hbm>>) target(%arg11 : memref<128x128xf32, #tpu.memory_space<vmem>>) offsets(%dma_start3A_26 : memref<128xi32, #tpu.memory_space<vmem>>) semaphore(%arg15 : memref<!tpu.dma_semaphore, #tpu.memory_space<semaphore_mem>>)
    %mul3A_30 = arith.constant 256 : i32
    %mul3A_31 = arith.muli %arg1, %mul3A_30 : i32
    %add3A_32 = arith.constant 0 : i32
    %add3A_33 = arith.addi %mul3A_31, %add3A_32 : i32
    "tpu.region"() ({
      %run_scoped3A = tpu.sem_alloc : memref<!tpu.dma_semaphore, #tpu.memory_space<semaphore_mem>>
      %dma_start3A_52 = arith.constant 0 : i32
      %dma_start3A_53 = tpu.memref_slice %arg20[%add3A_33, %dma_start3A_52] : memref<4104x128xf32, #tpu.memory_space<vmem_shared>> -> memref<128x128xf32, #tpu.memory_space<vmem_shared>>
      %dma_start3A_54 = arith.constant 0 : i32
      %dma_start3A_55 = tpu.memref_slice %arg2[%add3A_33, %dma_start3A_54] : memref<4096x128xf32, #tpu.memory_space<hbm>> -> memref<128x128xf32, #tpu.memory_space<hbm>>
      tpu.enqueue_dma source(%dma_start3A_55 : memref<128x128xf32, #tpu.memory_space<hbm>>) target(%dma_start3A_53 : memref<128x128xf32, #tpu.memory_space<vmem_shared>>) target_semaphore(%run_scoped3A : memref<!tpu.dma_semaphore, #tpu.memory_space<semaphore_mem>>)
      %dma_wait3A = arith.constant 0 : i32
      %dma_wait3A_56 = tpu.memref_slice %arg20[%add3A_33, %dma_wait3A] : memref<4104x128xf32, #tpu.memory_space<vmem_shared>> -> memref<128x128xf32, #tpu.memory_space<vmem_shared>>
      %dma_wait3A_57 = arith.constant 0 : i32
      %dma_wait3A_58 = tpu.memref_slice %arg2[%add3A_33, %dma_wait3A_57] : memref<4096x128xf32, #tpu.memory_space<hbm>> -> memref<128x128xf32, #tpu.memory_space<hbm>>
      tpu.wait_dma2 semaphore(%run_scoped3A : memref<!tpu.dma_semaphore, #tpu.memory_space<semaphore_mem>>) src(%dma_wait3A_58 : memref<128x128xf32, #tpu.memory_space<hbm>>) dst(%dma_wait3A_56 : memref<128x128xf32, #tpu.memory_space<vmem_shared>>)
      tpu.yield
    }) : () -> ()
    %mul3A_34 = arith.constant 256 : i32
    %mul3A_35 = arith.muli %arg1, %mul3A_34 : i32
    %add3A_36 = arith.constant 128 : i32
    %add3A_37 = arith.addi %mul3A_35, %add3A_36 : i32
    "tpu.region"() ({
      %run_scoped3A = tpu.sem_alloc : memref<!tpu.dma_semaphore, #tpu.memory_space<semaphore_mem>>
      %dma_start3A_52 = arith.constant 0 : i32
      %dma_start3A_53 = tpu.memref_slice %arg20[%add3A_37, %dma_start3A_52] : memref<4104x128xf32, #tpu.memory_space<vmem_shared>> -> memref<128x128xf32, #tpu.memory_space<vmem_shared>>
      %dma_start3A_54 = arith.constant 0 : i32
      %dma_start3A_55 = tpu.memref_slice %arg2[%add3A_37, %dma_start3A_54] : memref<4096x128xf32, #tpu.memory_space<hbm>> -> memref<128x128xf32, #tpu.memory_space<hbm>>
      tpu.enqueue_dma source(%dma_start3A_55 : memref<128x128xf32, #tpu.memory_space<hbm>>) target(%dma_start3A_53 : memref<128x128xf32, #tpu.memory_space<vmem_shared>>) target_semaphore(%run_scoped3A : memref<!tpu.dma_semaphore, #tpu.memory_space<semaphore_mem>>)
      %dma_wait3A = arith.constant 0 : i32
      %dma_wait3A_56 = tpu.memref_slice %arg20[%add3A_37, %dma_wait3A] : memref<4104x128xf32, #tpu.memory_space<vmem_shared>> -> memref<128x128xf32, #tpu.memory_space<vmem_shared>>
      %dma_wait3A_57 = arith.constant 0 : i32
      %dma_wait3A_58 = tpu.memref_slice %arg2[%add3A_37, %dma_wait3A_57] : memref<4096x128xf32, #tpu.memory_space<hbm>> -> memref<128x128xf32, #tpu.memory_space<hbm>>
      tpu.wait_dma2 semaphore(%run_scoped3A : memref<!tpu.dma_semaphore, #tpu.memory_space<semaphore_mem>>) src(%dma_wait3A_58 : memref<128x128xf32, #tpu.memory_space<hbm>>) dst(%dma_wait3A_56 : memref<128x128xf32, #tpu.memory_space<vmem_shared>>)
      tpu.yield
    }) : () -> ()
    %barrier3A = arith.constant 0 : index
    tpu.barrier barrier_id(%barrier3A)
    %scan3A = arith.constant 0 : i32
    %scan3A_38 = arith.constant 0 : i32
    %scan3A_39 = arith.constant 8 : i32
    %scan3A_40 = arith.addi %scan3A_38, %scan3A_39 : i32
    %scan3A_41 = arith.constant 1 : i32
    scf.for %scan3A_52 = %scan3A_38 to %scan3A_40 step %scan3A_41  : i32 {
      %mul3A_53 = arith.constant 4 : i32
      %mul3A_54 = arith.muli %mul3A_53, %scan3A_52 : i32
      %add3A_55 = arith.constant 0 : i32
      %add3A_56 = arith.addi %mul3A_54, %add3A_55 : i32
      %dma_wait3A = arith.constant 0 : i32
      %dma_wait3A_57 = arith.constant 0 : i32
      %dma_wait3A_58 = tpu.memref_slice %arg2[%dma_wait3A, %dma_wait3A_57] : memref<4096x128xf32, #tpu.memory_space<hbm>> -> memref<128x128xf32, #tpu.memory_space<hbm>>
      %dma_wait3A_59 = arith.constant 0 : i32
      %dma_wait3A_60 = arith.constant 0 : i32
      %dma_wait3A_61 = tpu.memref_slice %arg2[%dma_wait3A_59, %dma_wait3A_60] : memref<4096x128xf32, #tpu.memory_space<hbm>> -> memref<128x128xf32, #tpu.memory_space<hbm>>
      tpu.wait_dma2 semaphore(%arg12 : memref<!tpu.dma_semaphore, #tpu.memory_space<semaphore_mem>>) src(%dma_wait3A_61 : memref<128x128xf32, #tpu.memory_space<hbm>>) dst(%arg8 : memref<128x128xf32, #tpu.memory_space<vmem>>)
      %dma_start3A_62 = arith.constant 0 : i32
      %dma_start3A_63 = tpu.memref_slice %arg7[%add3A_56, %dma_start3A_62] : memref<32x128xi32, #tpu.memory_space<vmem>> -> memref<1x128xi32, #tpu.memory_space<vmem>>
      %dma_start3A_64 = tpu.memref_squeeze %dma_start3A_63 : memref<1x128xi32, #tpu.memory_space<vmem>> -> memref<128xi32, #tpu.memory_space<vmem>>
      %dma_start3A_65 = arith.constant 0 : i32
      %dma_start3A_66 = arith.constant 0 : i32
      %dma_start3A_67 = tpu.memref_slice %arg20[%dma_start3A_65, %dma_start3A_66] : memref<4104x128xf32, #tpu.memory_space<vmem_shared>> -> memref<4104x128xf32, #tpu.memory_space<vmem_shared>>
      tpu.enqueue_indirect_dma source(%arg8 : memref<128x128xf32, #tpu.memory_space<vmem>>) target(%dma_start3A_67 : memref<4104x128xf32, #tpu.memory_space<vmem_shared>>) offsets(%dma_start3A_64 : memref<128xi32, #tpu.memory_space<vmem>>) semaphore(%arg16 : memref<!tpu.dma_semaphore, #tpu.memory_space<semaphore_mem>>) {add = true}
      %mul3A_68 = arith.constant 4 : i32
      %mul3A_69 = arith.muli %mul3A_68, %scan3A_52 : i32
      %add3A_70 = arith.constant 1 : i32
      %add3A_71 = arith.addi %mul3A_69, %add3A_70 : i32
      %dma_wait3A_72 = arith.constant 0 : i32
      %dma_wait3A_73 = arith.constant 0 : i32
      %dma_wait3A_74 = tpu.memref_slice %arg2[%dma_wait3A_72, %dma_wait3A_73] : memref<4096x128xf32, #tpu.memory_space<hbm>> -> memref<128x128xf32, #tpu.memory_space<hbm>>
      %dma_wait3A_75 = arith.constant 0 : i32
      %dma_wait3A_76 = arith.constant 0 : i32
      %dma_wait3A_77 = tpu.memref_slice %arg2[%dma_wait3A_75, %dma_wait3A_76] : memref<4096x128xf32, #tpu.memory_space<hbm>> -> memref<128x128xf32, #tpu.memory_space<hbm>>
      tpu.wait_dma2 semaphore(%arg13 : memref<!tpu.dma_semaphore, #tpu.memory_space<semaphore_mem>>) src(%dma_wait3A_77 : memref<128x128xf32, #tpu.memory_space<hbm>>) dst(%arg9 : memref<128x128xf32, #tpu.memory_space<vmem>>)
      %dma_start3A_78 = arith.constant 0 : i32
      %dma_start3A_79 = tpu.memref_slice %arg7[%add3A_71, %dma_start3A_78] : memref<32x128xi32, #tpu.memory_space<vmem>> -> memref<1x128xi32, #tpu.memory_space<vmem>>
      %dma_start3A_80 = tpu.memref_squeeze %dma_start3A_79 : memref<1x128xi32, #tpu.memory_space<vmem>> -> memref<128xi32, #tpu.memory_space<vmem>>
      %dma_start3A_81 = arith.constant 0 : i32
      %dma_start3A_82 = arith.constant 0 : i32
      %dma_start3A_83 = tpu.memref_slice %arg20[%dma_start3A_81, %dma_start3A_82] : memref<4104x128xf32, #tpu.memory_space<vmem_shared>> -> memref<4104x128xf32, #tpu.memory_space<vmem_shared>>
      tpu.enqueue_indirect_dma source(%arg9 : memref<128x128xf32, #tpu.memory_space<vmem>>) target(%dma_start3A_83 : memref<4104x128xf32, #tpu.memory_space<vmem_shared>>) offsets(%dma_start3A_80 : memref<128xi32, #tpu.memory_space<vmem>>) semaphore(%arg17 : memref<!tpu.dma_semaphore, #tpu.memory_space<semaphore_mem>>) {add = true}
      %mul3A_84 = arith.constant 4 : i32
      %mul3A_85 = arith.muli %mul3A_84, %scan3A_52 : i32
      %add3A_86 = arith.constant 2 : i32
      %add3A_87 = arith.addi %mul3A_85, %add3A_86 : i32
      %dma_wait3A_88 = arith.constant 0 : i32
      %dma_wait3A_89 = arith.constant 0 : i32
      %dma_wait3A_90 = tpu.memref_slice %arg2[%dma_wait3A_88, %dma_wait3A_89] : memref<4096x128xf32, #tpu.memory_space<hbm>> -> memref<128x128xf32, #tpu.memory_space<hbm>>
      %dma_wait3A_91 = arith.constant 0 : i32
      %dma_wait3A_92 = arith.constant 0 : i32
      %dma_wait3A_93 = tpu.memref_slice %arg2[%dma_wait3A_91, %dma_wait3A_92] : memref<4096x128xf32, #tpu.memory_space<hbm>> -> memref<128x128xf32, #tpu.memory_space<hbm>>
      tpu.wait_dma2 semaphore(%arg14 : memref<!tpu.dma_semaphore, #tpu.memory_space<semaphore_mem>>) src(%dma_wait3A_93 : memref<128x128xf32, #tpu.memory_space<hbm>>) dst(%arg10 : memref<128x128xf32, #tpu.memory_space<vmem>>)
      %dma_start3A_94 = arith.constant 0 : i32
      %dma_start3A_95 = tpu.memref_slice %arg7[%add3A_87, %dma_start3A_94] : memref<32x128xi32, #tpu.memory_space<vmem>> -> memref<1x128xi32, #tpu.memory_space<vmem>>
      %dma_start3A_96 = tpu.memref_squeeze %dma_start3A_95 : memref<1x128xi32, #tpu.memory_space<vmem>> -> memref<128xi32, #tpu.memory_space<vmem>>
      %dma_start3A_97 = arith.constant 0 : i32
      %dma_start3A_98 = arith.constant 0 : i32
      %dma_start3A_99 = tpu.memref_slice %arg20[%dma_start3A_97, %dma_start3A_98] : memref<4104x128xf32, #tpu.memory_space<vmem_shared>> -> memref<4104x128xf32, #tpu.memory_space<vmem_shared>>
      tpu.enqueue_indirect_dma source(%arg10 : memref<128x128xf32, #tpu.memory_space<vmem>>) target(%dma_start3A_99 : memref<4104x128xf32, #tpu.memory_space<vmem_shared>>) offsets(%dma_start3A_96 : memref<128xi32, #tpu.memory_space<vmem>>) semaphore(%arg18 : memref<!tpu.dma_semaphore, #tpu.memory_space<semaphore_mem>>) {add = true}
      %mul3A_100 = arith.constant 4 : i32
      %mul3A_101 = arith.muli %mul3A_100, %scan3A_52 : i32
      %add3A_102 = arith.constant 3 : i32
      %add3A_103 = arith.addi %mul3A_101, %add3A_102 : i32
      %dma_wait3A_104 = arith.constant 0 : i32
      %dma_wait3A_105 = arith.constant 0 : i32
      %dma_wait3A_106 = tpu.memref_slice %arg2[%dma_wait3A_104, %dma_wait3A_105] : memref<4096x128xf32, #tpu.memory_space<hbm>> -> memref<128x128xf32, #tpu.memory_space<hbm>>
      %dma_wait3A_107 = arith.constant 0 : i32
      %dma_wait3A_108 = arith.constant 0 : i32
      %dma_wait3A_109 = tpu.memref_slice %arg2[%dma_wait3A_107, %dma_wait3A_108] : memref<4096x128xf32, #tpu.memory_space<hbm>> -> memref<128x128xf32, #tpu.memory_space<hbm>>
      tpu.wait_dma2 semaphore(%arg15 : memref<!tpu.dma_semaphore, #tpu.memory_space<semaphore_mem>>) src(%dma_wait3A_109 : memref<128x128xf32, #tpu.memory_space<hbm>>) dst(%arg11 : memref<128x128xf32, #tpu.memory_space<vmem>>)
      %dma_start3A_110 = arith.constant 0 : i32
      %dma_start3A_111 = tpu.memref_slice %arg7[%add3A_103, %dma_start3A_110] : memref<32x128xi32, #tpu.memory_space<vmem>> -> memref<1x128xi32, #tpu.memory_space<vmem>>
      %dma_start3A_112 = tpu.memref_squeeze %dma_start3A_111 : memref<1x128xi32, #tpu.memory_space<vmem>> -> memref<128xi32, #tpu.memory_space<vmem>>
      %dma_start3A_113 = arith.constant 0 : i32
      %dma_start3A_114 = arith.constant 0 : i32
      %dma_start3A_115 = tpu.memref_slice %arg20[%dma_start3A_113, %dma_start3A_114] : memref<4104x128xf32, #tpu.memory_space<vmem_shared>> -> memref<4104x128xf32, #tpu.memory_space<vmem_shared>>
      tpu.enqueue_indirect_dma source(%arg11 : memref<128x128xf32, #tpu.memory_space<vmem>>) target(%dma_start3A_115 : memref<4104x128xf32, #tpu.memory_space<vmem_shared>>) offsets(%dma_start3A_112 : memref<128xi32, #tpu.memory_space<vmem>>) semaphore(%arg19 : memref<!tpu.dma_semaphore, #tpu.memory_space<semaphore_mem>>) {add = true}
      %dma_wait3A_116 = arith.constant 0 : i32
      %dma_wait3A_117 = tpu.memref_slice %arg7[%add3A_56, %dma_wait3A_116] : memref<32x128xi32, #tpu.memory_space<vmem>> -> memref<1x128xi32, #tpu.memory_space<vmem>>
      %dma_wait3A_118 = tpu.memref_squeeze %dma_wait3A_117 : memref<1x128xi32, #tpu.memory_space<vmem>> -> memref<128xi32, #tpu.memory_space<vmem>>
      %dma_wait3A_119 = arith.constant 0 : i32
      %dma_wait3A_120 = arith.constant 0 : i32
      %dma_wait3A_121 = tpu.memref_slice %arg20[%dma_wait3A_119, %dma_wait3A_120] : memref<4104x128xf32, #tpu.memory_space<vmem_shared>> -> memref<4104x128xf32, #tpu.memory_space<vmem_shared>>
      tpu.wait_indirect_dma semaphore(%arg16 : memref<!tpu.dma_semaphore, #tpu.memory_space<semaphore_mem>>) src(%arg8 : memref<128x128xf32, #tpu.memory_space<vmem>>) dst(%dma_wait3A_121 : memref<4104x128xf32, #tpu.memory_space<vmem_shared>>)
      %lt3A = arith.constant 7 : i32
      %lt3A_122 = arith.cmpi slt, %scan3A_52, %lt3A : i32
      %convert_element_type3A = arith.extui %lt3A_122 : i1 to i32
      %cond3A = arith.constant 0 : i32
      %cond3A_123 = arith.cmpi ne, %convert_element_type3A, %cond3A : i32
      scf.if %cond3A_123 {
        %add3A_157 = arith.constant 1 : i32
        %add3A_158 = arith.addi %scan3A_52, %add3A_157 : i32
        %mul3A_159 = arith.constant 4 : i32
        %mul3A_160 = arith.muli %mul3A_159, %add3A_158 : i32
        %add3A_161 = arith.constant 0 : i32
        %add3A_162 = arith.addi %mul3A_160, %add3A_161 : i32
        %dma_start3A_163 = arith.constant 0 : i32
        %dma_start3A_164 = tpu.memref_slice %arg6[%add3A_162, %dma_start3A_163] : memref<32x128xi32, #tpu.memory_space<vmem>> -> memref<1x128xi32, #tpu.memory_space<vmem>>
        %dma_start3A_165 = tpu.memref_squeeze %dma_start3A_164 : memref<1x128xi32, #tpu.memory_space<vmem>> -> memref<128xi32, #tpu.memory_space<vmem>>
        %dma_start3A_166 = arith.constant 0 : i32
        %dma_start3A_167 = arith.constant 0 : i32
        %dma_start3A_168 = tpu.memref_slice %arg2[%dma_start3A_166, %dma_start3A_167] : memref<4096x128xf32, #tpu.memory_space<hbm>> -> memref<4096x128xf32, #tpu.memory_space<hbm>>
        tpu.enqueue_indirect_dma source(%dma_start3A_168 : memref<4096x128xf32, #tpu.memory_space<hbm>>) target(%arg8 : memref<128x128xf32, #tpu.memory_space<vmem>>) offsets(%dma_start3A_165 : memref<128xi32, #tpu.memory_space<vmem>>) semaphore(%arg12 : memref<!tpu.dma_semaphore, #tpu.memory_space<semaphore_mem>>)
      } else {
      }
      %dma_wait3A_124 = arith.constant 0 : i32
      %dma_wait3A_125 = tpu.memref_slice %arg7[%add3A_71, %dma_wait3A_124] : memref<32x128xi32, #tpu.memory_space<vmem>> -> memref<1x128xi32, #tpu.memory_space<vmem>>
      %dma_wait3A_126 = tpu.memref_squeeze %dma_wait3A_125 : memref<1x128xi32, #tpu.memory_space<vmem>> -> memref<128xi32, #tpu.memory_space<vmem>>
      %dma_wait3A_127 = arith.constant 0 : i32
      %dma_wait3A_128 = arith.constant 0 : i32
      %dma_wait3A_129 = tpu.memref_slice %arg20[%dma_wait3A_127, %dma_wait3A_128] : memref<4104x128xf32, #tpu.memory_space<vmem_shared>> -> memref<4104x128xf32, #tpu.memory_space<vmem_shared>>
      tpu.wait_indirect_dma semaphore(%arg17 : memref<!tpu.dma_semaphore, #tpu.memory_space<semaphore_mem>>) src(%arg9 : memref<128x128xf32, #tpu.memory_space<vmem>>) dst(%dma_wait3A_129 : memref<4104x128xf32, #tpu.memory_space<vmem_shared>>)
      %lt3A_130 = arith.constant 7 : i32
      %lt3A_131 = arith.cmpi slt, %scan3A_52, %lt3A_130 : i32
      %convert_element_type3A_132 = arith.extui %lt3A_131 : i1 to i32
      %cond3A_133 = arith.constant 0 : i32
      %cond3A_134 = arith.cmpi ne, %convert_element_type3A_132, %cond3A_133 : i32
      scf.if %cond3A_134 {
        %add3A_157 = arith.constant 1 : i32
        %add3A_158 = arith.addi %scan3A_52, %add3A_157 : i32
        %mul3A_159 = arith.constant 4 : i32
        %mul3A_160 = arith.muli %mul3A_159, %add3A_158 : i32
        %add3A_161 = arith.constant 1 : i32
        %add3A_162 = arith.addi %mul3A_160, %add3A_161 : i32
        %dma_start3A_163 = arith.constant 0 : i32
        %dma_start3A_164 = tpu.memref_slice %arg6[%add3A_162, %dma_start3A_163] : memref<32x128xi32, #tpu.memory_space<vmem>> -> memref<1x128xi32, #tpu.memory_space<vmem>>
        %dma_start3A_165 = tpu.memref_squeeze %dma_start3A_164 : memref<1x128xi32, #tpu.memory_space<vmem>> -> memref<128xi32, #tpu.memory_space<vmem>>
        %dma_start3A_166 = arith.constant 0 : i32
        %dma_start3A_167 = arith.constant 0 : i32
        %dma_start3A_168 = tpu.memref_slice %arg2[%dma_start3A_166, %dma_start3A_167] : memref<4096x128xf32, #tpu.memory_space<hbm>> -> memref<4096x128xf32, #tpu.memory_space<hbm>>
        tpu.enqueue_indirect_dma source(%dma_start3A_168 : memref<4096x128xf32, #tpu.memory_space<hbm>>) target(%arg9 : memref<128x128xf32, #tpu.memory_space<vmem>>) offsets(%dma_start3A_165 : memref<128xi32, #tpu.memory_space<vmem>>) semaphore(%arg13 : memref<!tpu.dma_semaphore, #tpu.memory_space<semaphore_mem>>)
      } else {
      }
      %dma_wait3A_135 = arith.constant 0 : i32
      %dma_wait3A_136 = tpu.memref_slice %arg7[%add3A_87, %dma_wait3A_135] : memref<32x128xi32, #tpu.memory_space<vmem>> -> memref<1x128xi32, #tpu.memory_space<vmem>>
      %dma_wait3A_137 = tpu.memref_squeeze %dma_wait3A_136 : memref<1x128xi32, #tpu.memory_space<vmem>> -> memref<128xi32, #tpu.memory_space<vmem>>
      %dma_wait3A_138 = arith.constant 0 : i32
      %dma_wait3A_139 = arith.constant 0 : i32
      %dma_wait3A_140 = tpu.memref_slice %arg20[%dma_wait3A_138, %dma_wait3A_139] : memref<4104x128xf32, #tpu.memory_space<vmem_shared>> -> memref<4104x128xf32, #tpu.memory_space<vmem_shared>>
      tpu.wait_indirect_dma semaphore(%arg18 : memref<!tpu.dma_semaphore, #tpu.memory_space<semaphore_mem>>) src(%arg10 : memref<128x128xf32, #tpu.memory_space<vmem>>) dst(%dma_wait3A_140 : memref<4104x128xf32, #tpu.memory_space<vmem_shared>>)
      %lt3A_141 = arith.constant 7 : i32
      %lt3A_142 = arith.cmpi slt, %scan3A_52, %lt3A_141 : i32
      %convert_element_type3A_143 = arith.extui %lt3A_142 : i1 to i32
      %cond3A_144 = arith.constant 0 : i32
      %cond3A_145 = arith.cmpi ne, %convert_element_type3A_143, %cond3A_144 : i32
      scf.if %cond3A_145 {
        %add3A_157 = arith.constant 1 : i32
        %add3A_158 = arith.addi %scan3A_52, %add3A_157 : i32
        %mul3A_159 = arith.constant 4 : i32
        %mul3A_160 = arith.muli %mul3A_159, %add3A_158 : i32
        %add3A_161 = arith.constant 2 : i32
        %add3A_162 = arith.addi %mul3A_160, %add3A_161 : i32
        %dma_start3A_163 = arith.constant 0 : i32
        %dma_start3A_164 = tpu.memref_slice %arg6[%add3A_162, %dma_start3A_163] : memref<32x128xi32, #tpu.memory_space<vmem>> -> memref<1x128xi32, #tpu.memory_space<vmem>>
        %dma_start3A_165 = tpu.memref_squeeze %dma_start3A_164 : memref<1x128xi32, #tpu.memory_space<vmem>> -> memref<128xi32, #tpu.memory_space<vmem>>
        %dma_start3A_166 = arith.constant 0 : i32
        %dma_start3A_167 = arith.constant 0 : i32
        %dma_start3A_168 = tpu.memref_slice %arg2[%dma_start3A_166, %dma_start3A_167] : memref<4096x128xf32, #tpu.memory_space<hbm>> -> memref<4096x128xf32, #tpu.memory_space<hbm>>
        tpu.enqueue_indirect_dma source(%dma_start3A_168 : memref<4096x128xf32, #tpu.memory_space<hbm>>) target(%arg10 : memref<128x128xf32, #tpu.memory_space<vmem>>) offsets(%dma_start3A_165 : memref<128xi32, #tpu.memory_space<vmem>>) semaphore(%arg14 : memref<!tpu.dma_semaphore, #tpu.memory_space<semaphore_mem>>)
      } else {
      }
      %dma_wait3A_146 = arith.constant 0 : i32
      %dma_wait3A_147 = tpu.memref_slice %arg7[%add3A_103, %dma_wait3A_146] : memref<32x128xi32, #tpu.memory_space<vmem>> -> memref<1x128xi32, #tpu.memory_space<vmem>>
      %dma_wait3A_148 = tpu.memref_squeeze %dma_wait3A_147 : memref<1x128xi32, #tpu.memory_space<vmem>> -> memref<128xi32, #tpu.memory_space<vmem>>
      %dma_wait3A_149 = arith.constant 0 : i32
      %dma_wait3A_150 = arith.constant 0 : i32
      %dma_wait3A_151 = tpu.memref_slice %arg20[%dma_wait3A_149, %dma_wait3A_150] : memref<4104x128xf32, #tpu.memory_space<vmem_shared>> -> memref<4104x128xf32, #tpu.memory_space<vmem_shared>>
      tpu.wait_indirect_dma semaphore(%arg19 : memref<!tpu.dma_semaphore, #tpu.memory_space<semaphore_mem>>) src(%arg11 : memref<128x128xf32, #tpu.memory_space<vmem>>) dst(%dma_wait3A_151 : memref<4104x128xf32, #tpu.memory_space<vmem_shared>>)
      %lt3A_152 = arith.constant 7 : i32
      %lt3A_153 = arith.cmpi slt, %scan3A_52, %lt3A_152 : i32
      %convert_element_type3A_154 = arith.extui %lt3A_153 : i1 to i32
      %cond3A_155 = arith.constant 0 : i32
      %cond3A_156 = arith.cmpi ne, %convert_element_type3A_154, %cond3A_155 : i32
      scf.if %cond3A_156 {
        %add3A_157 = arith.constant 1 : i32
        %add3A_158 = arith.addi %scan3A_52, %add3A_157 : i32
        %mul3A_159 = arith.constant 4 : i32
        %mul3A_160 = arith.muli %mul3A_159, %add3A_158 : i32
        %add3A_161 = arith.constant 3 : i32
        %add3A_162 = arith.addi %mul3A_160, %add3A_161 : i32
        %dma_start3A_163 = arith.constant 0 : i32
        %dma_start3A_164 = tpu.memref_slice %arg6[%add3A_162, %dma_start3A_163] : memref<32x128xi32, #tpu.memory_space<vmem>> -> memref<1x128xi32, #tpu.memory_space<vmem>>
        %dma_start3A_165 = tpu.memref_squeeze %dma_start3A_164 : memref<1x128xi32, #tpu.memory_space<vmem>> -> memref<128xi32, #tpu.memory_space<vmem>>
        %dma_start3A_166 = arith.constant 0 : i32
        %dma_start3A_167 = arith.constant 0 : i32
        %dma_start3A_168 = tpu.memref_slice %arg2[%dma_start3A_166, %dma_start3A_167] : memref<4096x128xf32, #tpu.memory_space<hbm>> -> memref<4096x128xf32, #tpu.memory_space<hbm>>
        tpu.enqueue_indirect_dma source(%dma_start3A_168 : memref<4096x128xf32, #tpu.memory_space<hbm>>) target(%arg11 : memref<128x128xf32, #tpu.memory_space<vmem>>) offsets(%dma_start3A_165 : memref<128xi32, #tpu.memory_space<vmem>>) semaphore(%arg15 : memref<!tpu.dma_semaphore, #tpu.memory_space<semaphore_mem>>)
      } else {
      }
    }
    %scan3A_42 = arith.constant 8 : i32
    %barrier3A_43 = arith.constant 0 : index
    tpu.barrier barrier_id(%barrier3A_43)
    %mul3A_44 = arith.constant 256 : i32
    %mul3A_45 = arith.muli %arg1, %mul3A_44 : i32
    %add3A_46 = arith.constant 0 : i32
    %add3A_47 = arith.addi %mul3A_45, %add3A_46 : i32
    "tpu.region"() ({
      %run_scoped3A = tpu.sem_alloc : memref<!tpu.dma_semaphore, #tpu.memory_space<semaphore_mem>>
      %dma_start3A_52 = arith.constant 0 : i32
      %dma_start3A_53 = tpu.memref_slice %arg20[%add3A_47, %dma_start3A_52] : memref<4104x128xf32, #tpu.memory_space<vmem_shared>> -> memref<128x128xf32, #tpu.memory_space<vmem_shared>>
      %dma_start3A_54 = arith.constant 0 : i32
      %dma_start3A_55 = tpu.memref_slice %arg20[%add3A_47, %dma_start3A_54] : memref<4104x128xf32, #tpu.memory_space<vmem_shared>> -> memref<128x128xf32, #tpu.memory_space<vmem_shared>>
      tpu.enqueue_dma source(%dma_start3A_55 : memref<128x128xf32, #tpu.memory_space<vmem_shared>>) target(%arg8 : memref<128x128xf32, #tpu.memory_space<vmem>>) target_semaphore(%run_scoped3A : memref<!tpu.dma_semaphore, #tpu.memory_space<semaphore_mem>>)
      %dma_wait3A = arith.constant 0 : i32
      %dma_wait3A_56 = tpu.memref_slice %arg20[%add3A_47, %dma_wait3A] : memref<4104x128xf32, #tpu.memory_space<vmem_shared>> -> memref<128x128xf32, #tpu.memory_space<vmem_shared>>
      %dma_wait3A_57 = arith.constant 0 : i32
      %dma_wait3A_58 = tpu.memref_slice %arg20[%add3A_47, %dma_wait3A_57] : memref<4104x128xf32, #tpu.memory_space<vmem_shared>> -> memref<128x128xf32, #tpu.memory_space<vmem_shared>>
      tpu.wait_dma2 semaphore(%run_scoped3A : memref<!tpu.dma_semaphore, #tpu.memory_space<semaphore_mem>>) src(%dma_wait3A_58 : memref<128x128xf32, #tpu.memory_space<vmem_shared>>) dst(%arg8 : memref<128x128xf32, #tpu.memory_space<vmem>>)
      tpu.yield
    }) : () -> ()
    "tpu.region"() ({
      %run_scoped3A = tpu.sem_alloc : memref<!tpu.dma_semaphore, #tpu.memory_space<semaphore_mem>>
      %dma_start3A_52 = arith.constant 0 : i32
      %dma_start3A_53 = tpu.memref_slice %arg5[%arg0, %add3A_47, %dma_start3A_52] : memref<2x4096x128xf32, #tpu.memory_space<hbm>> -> memref<1x128x128xf32, #tpu.memory_space<hbm>>
      %dma_start3A_54 = tpu.memref_squeeze %dma_start3A_53 : memref<1x128x128xf32, #tpu.memory_space<hbm>> -> memref<128x128xf32, #tpu.memory_space<hbm>>
      %dma_start3A_55 = arith.constant 0 : i32
      %dma_start3A_56 = tpu.memref_slice %arg5[%arg0, %add3A_47, %dma_start3A_55] : memref<2x4096x128xf32, #tpu.memory_space<hbm>> -> memref<1x128x128xf32, #tpu.memory_space<hbm>>
      %dma_start3A_57 = tpu.memref_squeeze %dma_start3A_56 : memref<1x128x128xf32, #tpu.memory_space<hbm>> -> memref<128x128xf32, #tpu.memory_space<hbm>>
      tpu.enqueue_dma source(%arg8 : memref<128x128xf32, #tpu.memory_space<vmem>>) target(%dma_start3A_57 : memref<128x128xf32, #tpu.memory_space<hbm>>) target_semaphore(%run_scoped3A : memref<!tpu.dma_semaphore, #tpu.memory_space<semaphore_mem>>)
      %dma_wait3A = arith.constant 0 : i32
      %dma_wait3A_58 = tpu.memref_slice %arg5[%arg0, %add3A_47, %dma_wait3A] : memref<2x4096x128xf32, #tpu.memory_space<hbm>> -> memref<1x128x128xf32, #tpu.memory_space<hbm>>
      %dma_wait3A_59 = tpu.memref_squeeze %dma_wait3A_58 : memref<1x128x128xf32, #tpu.memory_space<hbm>> -> memref<128x128xf32, #tpu.memory_space<hbm>>
      %dma_wait3A_60 = arith.constant 0 : i32
      %dma_wait3A_61 = tpu.memref_slice %arg5[%arg0, %add3A_47, %dma_wait3A_60] : memref<2x4096x128xf32, #tpu.memory_space<hbm>> -> memref<1x128x128xf32, #tpu.memory_space<hbm>>
      %dma_wait3A_62 = tpu.memref_squeeze %dma_wait3A_61 : memref<1x128x128xf32, #tpu.memory_space<hbm>> -> memref<128x128xf32, #tpu.memory_space<hbm>>
      tpu.wait_dma2 semaphore(%run_scoped3A : memref<!tpu.dma_semaphore, #tpu.memory_space<semaphore_mem>>) src(%arg8 : memref<128x128xf32, #tpu.memory_space<vmem>>) dst(%dma_wait3A_62 : memref<128x128xf32, #tpu.memory_space<hbm>>)
      tpu.yield
    }) : () -> ()
    %mul3A_48 = arith.constant 256 : i32
    %mul3A_49 = arith.muli %arg1, %mul3A_48 : i32
    %add3A_50 = arith.constant 128 : i32
    %add3A_51 = arith.addi %mul3A_49, %add3A_50 : i32
    "tpu.region"() ({
      %run_scoped3A = tpu.sem_alloc : memref<!tpu.dma_semaphore, #tpu.memory_space<semaphore_mem>>
      %dma_start3A_52 = arith.constant 0 : i32
      %dma_start3A_53 = tpu.memref_slice %arg20[%add3A_51, %dma_start3A_52] : memref<4104x128xf32, #tpu.memory_space<vmem_shared>> -> memref<128x128xf32, #tpu.memory_space<vmem_shared>>
      %dma_start3A_54 = arith.constant 0 : i32
      %dma_start3A_55 = tpu.memref_slice %arg20[%add3A_51, %dma_start3A_54] : memref<4104x128xf32, #tpu.memory_space<vmem_shared>> -> memref<128x128xf32, #tpu.memory_space<vmem_shared>>
      tpu.enqueue_dma source(%dma_start3A_55 : memref<128x128xf32, #tpu.memory_space<vmem_shared>>) target(%arg8 : memref<128x128xf32, #tpu.memory_space<vmem>>) target_semaphore(%run_scoped3A : memref<!tpu.dma_semaphore, #tpu.memory_space<semaphore_mem>>)
      %dma_wait3A = arith.constant 0 : i32
      %dma_wait3A_56 = tpu.memref_slice %arg20[%add3A_51, %dma_wait3A] : memref<4104x128xf32, #tpu.memory_space<vmem_shared>> -> memref<128x128xf32, #tpu.memory_space<vmem_shared>>
      %dma_wait3A_57 = arith.constant 0 : i32
      %dma_wait3A_58 = tpu.memref_slice %arg20[%add3A_51, %dma_wait3A_57] : memref<4104x128xf32, #tpu.memory_space<vmem_shared>> -> memref<128x128xf32, #tpu.memory_space<vmem_shared>>
      tpu.wait_dma2 semaphore(%run_scoped3A : memref<!tpu.dma_semaphore, #tpu.memory_space<semaphore_mem>>) src(%dma_wait3A_58 : memref<128x128xf32, #tpu.memory_space<vmem_shared>>) dst(%arg8 : memref<128x128xf32, #tpu.memory_space<vmem>>)
      tpu.yield
    }) : () -> ()
    "tpu.region"() ({
      %run_scoped3A = tpu.sem_alloc : memref<!tpu.dma_semaphore, #tpu.memory_space<semaphore_mem>>
      %dma_start3A_52 = arith.constant 0 : i32
      %dma_start3A_53 = tpu.memref_slice %arg5[%arg0, %add3A_51, %dma_start3A_52] : memref<2x4096x128xf32, #tpu.memory_space<hbm>> -> memref<1x128x128xf32, #tpu.memory_space<hbm>>
      %dma_start3A_54 = tpu.memref_squeeze %dma_start3A_53 : memref<1x128x128xf32, #tpu.memory_space<hbm>> -> memref<128x128xf32, #tpu.memory_space<hbm>>
      %dma_start3A_55 = arith.constant 0 : i32
      %dma_start3A_56 = tpu.memref_slice %arg5[%arg0, %add3A_51, %dma_start3A_55] : memref<2x4096x128xf32, #tpu.memory_space<hbm>> -> memref<1x128x128xf32, #tpu.memory_space<hbm>>
      %dma_start3A_57 = tpu.memref_squeeze %dma_start3A_56 : memref<1x128x128xf32, #tpu.memory_space<hbm>> -> memref<128x128xf32, #tpu.memory_space<hbm>>
      tpu.enqueue_dma source(%arg8 : memref<128x128xf32, #tpu.memory_space<vmem>>) target(%dma_start3A_57 : memref<128x128xf32, #tpu.memory_space<hbm>>) target_semaphore(%run_scoped3A : memref<!tpu.dma_semaphore, #tpu.memory_space<semaphore_mem>>)
      %dma_wait3A = arith.constant 0 : i32
      %dma_wait3A_58 = tpu.memref_slice %arg5[%arg0, %add3A_51, %dma_wait3A] : memref<2x4096x128xf32, #tpu.memory_space<hbm>> -> memref<1x128x128xf32, #tpu.memory_space<hbm>>
      %dma_wait3A_59 = tpu.memref_squeeze %dma_wait3A_58 : memref<1x128x128xf32, #tpu.memory_space<hbm>> -> memref<128x128xf32, #tpu.memory_space<hbm>>
      %dma_wait3A_60 = arith.constant 0 : i32
      %dma_wait3A_61 = tpu.memref_slice %arg5[%arg0, %add3A_51, %dma_wait3A_60] : memref<2x4096x128xf32, #tpu.memory_space<hbm>> -> memref<1x128x128xf32, #tpu.memory_space<hbm>>
      %dma_wait3A_62 = tpu.memref_squeeze %dma_wait3A_61 : memref<1x128x128xf32, #tpu.memory_space<hbm>> -> memref<128x128xf32, #tpu.memory_space<hbm>>
      tpu.wait_dma2 semaphore(%run_scoped3A : memref<!tpu.dma_semaphore, #tpu.memory_space<semaphore_mem>>) src(%arg8 : memref<128x128xf32, #tpu.memory_space<vmem>>) dst(%dma_wait3A_62 : memref<128x128xf32, #tpu.memory_space<hbm>>)
      tpu.yield
    }) : () -> ()
    return
  }
}

module attributes {stable_mosaic.version = 14 : i64} {
  func.func @_tc_sample_body(%arg0: memref<4096x16xf32, #tpu.memory_space<vmem>>, %arg1: memref<4x512x128xf32, #tpu.memory_space<vmem>>, %arg2: memref<512x128xi32, #tpu.memory_space<vmem>>, %arg3: memref<512x128xi32, #tpu.memory_space<vmem>>, %arg4: memref<16x128xf32, #tpu.memory_space<vmem>>, %arg5: memref<4096x128xf32, #tpu.memory_space<vmem>>, %arg6: memref<2x512x128xi32, #tpu.memory_space<vmem>>, %arg7: memref<2x512x128xi32, #tpu.memory_space<vmem>>) attributes {dimension_semantics = [], scalar_prefetch = 0 : i64, scratch_operands = 0 : i64, tpu.core_type = #tpu.core_type<tc>} {
    %get3A = arith.constant 0 : index
    %get3A_0 = arith.constant 0 : index
    %get3A_1 = vector.load %arg0[%get3A, %get3A_0] : memref<4096x16xf32, #tpu.memory_space<vmem>>, vector<4096x16xf32>
    %iota3A = tpu.iota {dimensions = array<i32: 1>} : vector<4096x16xi32>
    %iota3A_2 = tpu.iota {dimensions = array<i32: 0>} : vector<4096x16xi32>
    %mul3A = arith.constant 16 : i32
    %mul3A_3 = vector.broadcast %mul3A : i32 to vector<4096x16xi32>
    %mul3A_4 = arith.muli %iota3A_2, %mul3A_3 : vector<4096x16xi32>
    %add3A = arith.addi %mul3A_4, %iota3A : vector<4096x16xi32>
    %xor3A = arith.constant 1832780943 : i32
    %xor3A_5 = arith.constant 270669613 : i32
    %xor3A_6 = arith.xori %xor3A, %xor3A_5 : i32
    %xor3A_7 = arith.constant 466688986 : i32
    %xor3A_8 = arith.xori %xor3A_6, %xor3A_7 : i32
    %broadcast_in_dim3A = arith.constant 0 : i32
    %broadcast_in_dim3A_9 = vector.broadcast %broadcast_in_dim3A : i32 to vector<4096x16xi32>
    %add3A_10 = arith.constant 1832780943 : i32
    %add3A_11 = vector.broadcast %add3A_10 : i32 to vector<4096x16xi32>
    %add3A_12 = arith.addi %broadcast_in_dim3A_9, %add3A_11 : vector<4096x16xi32>
    %add3A_13 = arith.constant 270669613 : i32
    %add3A_14 = vector.broadcast %add3A_13 : i32 to vector<4096x16xi32>
    %add3A_15 = arith.addi %add3A, %add3A_14 : vector<4096x16xi32>
    %add3A_16 = arith.addi %add3A_12, %add3A_15 : vector<4096x16xi32>
    %shift_left3A = arith.constant 13 : i32
    %shift_left3A_17 = vector.broadcast %shift_left3A : i32 to vector<4096x16xi32>
    %shift_left3A_18 = arith.shli %add3A_15, %shift_left3A_17 : vector<4096x16xi32>
    %shift_right_logical3A = arith.constant 19 : i32
    %shift_right_logical3A_19 = vector.broadcast %shift_right_logical3A : i32 to vector<4096x16xi32>
    %shift_right_logical3A_20 = arith.shrui %add3A_15, %shift_right_logical3A_19 : vector<4096x16xi32>
    %or3A = arith.ori %shift_left3A_18, %shift_right_logical3A_20 : vector<4096x16xi32>
    %xor3A_21 = arith.xori %or3A, %add3A_16 : vector<4096x16xi32>
    %add3A_22 = arith.addi %add3A_16, %xor3A_21 : vector<4096x16xi32>
    %shift_left3A_23 = arith.constant 15 : i32
    %shift_left3A_24 = vector.broadcast %shift_left3A_23 : i32 to vector<4096x16xi32>
    %shift_left3A_25 = arith.shli %xor3A_21, %shift_left3A_24 : vector<4096x16xi32>
    %shift_right_logical3A_26 = arith.constant 17 : i32
    %shift_right_logical3A_27 = vector.broadcast %shift_right_logical3A_26 : i32 to vector<4096x16xi32>
    %shift_right_logical3A_28 = arith.shrui %xor3A_21, %shift_right_logical3A_27 : vector<4096x16xi32>
    %or3A_29 = arith.ori %shift_left3A_25, %shift_right_logical3A_28 : vector<4096x16xi32>
    %xor3A_30 = arith.xori %or3A_29, %add3A_22 : vector<4096x16xi32>
    %add3A_31 = arith.addi %add3A_22, %xor3A_30 : vector<4096x16xi32>
    %shift_left3A_32 = arith.constant 26 : i32
    %shift_left3A_33 = vector.broadcast %shift_left3A_32 : i32 to vector<4096x16xi32>
    %shift_left3A_34 = arith.shli %xor3A_30, %shift_left3A_33 : vector<4096x16xi32>
    %shift_right_logical3A_35 = arith.constant 6 : i32
    %shift_right_logical3A_36 = vector.broadcast %shift_right_logical3A_35 : i32 to vector<4096x16xi32>
    %shift_right_logical3A_37 = arith.shrui %xor3A_30, %shift_right_logical3A_36 : vector<4096x16xi32>
    %or3A_38 = arith.ori %shift_left3A_34, %shift_right_logical3A_37 : vector<4096x16xi32>
    %xor3A_39 = arith.xori %or3A_38, %add3A_31 : vector<4096x16xi32>
    %add3A_40 = arith.addi %add3A_31, %xor3A_39 : vector<4096x16xi32>
    %shift_left3A_41 = arith.constant 6 : i32
    %shift_left3A_42 = vector.broadcast %shift_left3A_41 : i32 to vector<4096x16xi32>
    %shift_left3A_43 = arith.shli %xor3A_39, %shift_left3A_42 : vector<4096x16xi32>
    %shift_right_logical3A_44 = arith.constant 26 : i32
    %shift_right_logical3A_45 = vector.broadcast %shift_right_logical3A_44 : i32 to vector<4096x16xi32>
    %shift_right_logical3A_46 = arith.shrui %xor3A_39, %shift_right_logical3A_45 : vector<4096x16xi32>
    %or3A_47 = arith.ori %shift_left3A_43, %shift_right_logical3A_46 : vector<4096x16xi32>
    %xor3A_48 = arith.xori %or3A_47, %add3A_40 : vector<4096x16xi32>
    %add3A_49 = arith.constant 270669613 : i32
    %add3A_50 = vector.broadcast %add3A_49 : i32 to vector<4096x16xi32>
    %add3A_51 = arith.addi %add3A_40, %add3A_50 : vector<4096x16xi32>
    %add3A_52 = vector.broadcast %xor3A_8 : i32 to vector<4096x16xi32>
    %add3A_53 = arith.addi %xor3A_48, %add3A_52 : vector<4096x16xi32>
    %add3A_54 = arith.constant 1 : i32
    %add3A_55 = vector.broadcast %add3A_54 : i32 to vector<4096x16xi32>
    %add3A_56 = arith.addi %add3A_53, %add3A_55 : vector<4096x16xi32>
    %add3A_57 = arith.addi %add3A_51, %add3A_56 : vector<4096x16xi32>
    %shift_left3A_58 = arith.constant 17 : i32
    %shift_left3A_59 = vector.broadcast %shift_left3A_58 : i32 to vector<4096x16xi32>
    %shift_left3A_60 = arith.shli %add3A_56, %shift_left3A_59 : vector<4096x16xi32>
    %shift_right_logical3A_61 = arith.constant 15 : i32
    %shift_right_logical3A_62 = vector.broadcast %shift_right_logical3A_61 : i32 to vector<4096x16xi32>
    %shift_right_logical3A_63 = arith.shrui %add3A_56, %shift_right_logical3A_62 : vector<4096x16xi32>
    %or3A_64 = arith.ori %shift_left3A_60, %shift_right_logical3A_63 : vector<4096x16xi32>
    %xor3A_65 = arith.xori %or3A_64, %add3A_57 : vector<4096x16xi32>
    %add3A_66 = arith.addi %add3A_57, %xor3A_65 : vector<4096x16xi32>
    %shift_left3A_67 = arith.constant 29 : i32
    %shift_left3A_68 = vector.broadcast %shift_left3A_67 : i32 to vector<4096x16xi32>
    %shift_left3A_69 = arith.shli %xor3A_65, %shift_left3A_68 : vector<4096x16xi32>
    %shift_right_logical3A_70 = arith.constant 3 : i32
    %shift_right_logical3A_71 = vector.broadcast %shift_right_logical3A_70 : i32 to vector<4096x16xi32>
    %shift_right_logical3A_72 = arith.shrui %xor3A_65, %shift_right_logical3A_71 : vector<4096x16xi32>
    %or3A_73 = arith.ori %shift_left3A_69, %shift_right_logical3A_72 : vector<4096x16xi32>
    %xor3A_74 = arith.xori %or3A_73, %add3A_66 : vector<4096x16xi32>
    %add3A_75 = arith.addi %add3A_66, %xor3A_74 : vector<4096x16xi32>
    %shift_left3A_76 = arith.constant 16 : i32
    %shift_left3A_77 = vector.broadcast %shift_left3A_76 : i32 to vector<4096x16xi32>
    %shift_left3A_78 = arith.shli %xor3A_74, %shift_left3A_77 : vector<4096x16xi32>
    %shift_right_logical3A_79 = arith.constant 16 : i32
    %shift_right_logical3A_80 = vector.broadcast %shift_right_logical3A_79 : i32 to vector<4096x16xi32>
    %shift_right_logical3A_81 = arith.shrui %xor3A_74, %shift_right_logical3A_80 : vector<4096x16xi32>
    %or3A_82 = arith.ori %shift_left3A_78, %shift_right_logical3A_81 : vector<4096x16xi32>
    %xor3A_83 = arith.xori %or3A_82, %add3A_75 : vector<4096x16xi32>
    %add3A_84 = arith.addi %add3A_75, %xor3A_83 : vector<4096x16xi32>
    %shift_left3A_85 = arith.constant 24 : i32
    %shift_left3A_86 = vector.broadcast %shift_left3A_85 : i32 to vector<4096x16xi32>
    %shift_left3A_87 = arith.shli %xor3A_83, %shift_left3A_86 : vector<4096x16xi32>
    %shift_right_logical3A_88 = arith.constant 8 : i32
    %shift_right_logical3A_89 = vector.broadcast %shift_right_logical3A_88 : i32 to vector<4096x16xi32>
    %shift_right_logical3A_90 = arith.shrui %xor3A_83, %shift_right_logical3A_89 : vector<4096x16xi32>
    %or3A_91 = arith.ori %shift_left3A_87, %shift_right_logical3A_90 : vector<4096x16xi32>
    %xor3A_92 = arith.xori %or3A_91, %add3A_84 : vector<4096x16xi32>
    %add3A_93 = vector.broadcast %xor3A_8 : i32 to vector<4096x16xi32>
    %add3A_94 = arith.addi %add3A_84, %add3A_93 : vector<4096x16xi32>
    %add3A_95 = arith.constant 1832780943 : i32
    %add3A_96 = vector.broadcast %add3A_95 : i32 to vector<4096x16xi32>
    %add3A_97 = arith.addi %xor3A_92, %add3A_96 : vector<4096x16xi32>
    %add3A_98 = arith.constant 2 : i32
    %add3A_99 = vector.broadcast %add3A_98 : i32 to vector<4096x16xi32>
    %add3A_100 = arith.addi %add3A_97, %add3A_99 : vector<4096x16xi32>
    %add3A_101 = arith.addi %add3A_94, %add3A_100 : vector<4096x16xi32>
    %shift_left3A_102 = arith.constant 13 : i32
    %shift_left3A_103 = vector.broadcast %shift_left3A_102 : i32 to vector<4096x16xi32>
    %shift_left3A_104 = arith.shli %add3A_100, %shift_left3A_103 : vector<4096x16xi32>
    %shift_right_logical3A_105 = arith.constant 19 : i32
    %shift_right_logical3A_106 = vector.broadcast %shift_right_logical3A_105 : i32 to vector<4096x16xi32>
    %shift_right_logical3A_107 = arith.shrui %add3A_100, %shift_right_logical3A_106 : vector<4096x16xi32>
    %or3A_108 = arith.ori %shift_left3A_104, %shift_right_logical3A_107 : vector<4096x16xi32>
    %xor3A_109 = arith.xori %or3A_108, %add3A_101 : vector<4096x16xi32>
    %add3A_110 = arith.addi %add3A_101, %xor3A_109 : vector<4096x16xi32>
    %shift_left3A_111 = arith.constant 15 : i32
    %shift_left3A_112 = vector.broadcast %shift_left3A_111 : i32 to vector<4096x16xi32>
    %shift_left3A_113 = arith.shli %xor3A_109, %shift_left3A_112 : vector<4096x16xi32>
    %shift_right_logical3A_114 = arith.constant 17 : i32
    %shift_right_logical3A_115 = vector.broadcast %shift_right_logical3A_114 : i32 to vector<4096x16xi32>
    %shift_right_logical3A_116 = arith.shrui %xor3A_109, %shift_right_logical3A_115 : vector<4096x16xi32>
    %or3A_117 = arith.ori %shift_left3A_113, %shift_right_logical3A_116 : vector<4096x16xi32>
    %xor3A_118 = arith.xori %or3A_117, %add3A_110 : vector<4096x16xi32>
    %add3A_119 = arith.addi %add3A_110, %xor3A_118 : vector<4096x16xi32>
    %shift_left3A_120 = arith.constant 26 : i32
    %shift_left3A_121 = vector.broadcast %shift_left3A_120 : i32 to vector<4096x16xi32>
    %shift_left3A_122 = arith.shli %xor3A_118, %shift_left3A_121 : vector<4096x16xi32>
    %shift_right_logical3A_123 = arith.constant 6 : i32
    %shift_right_logical3A_124 = vector.broadcast %shift_right_logical3A_123 : i32 to vector<4096x16xi32>
    %shift_right_logical3A_125 = arith.shrui %xor3A_118, %shift_right_logical3A_124 : vector<4096x16xi32>
    %or3A_126 = arith.ori %shift_left3A_122, %shift_right_logical3A_125 : vector<4096x16xi32>
    %xor3A_127 = arith.xori %or3A_126, %add3A_119 : vector<4096x16xi32>
    %add3A_128 = arith.addi %add3A_119, %xor3A_127 : vector<4096x16xi32>
    %shift_left3A_129 = arith.constant 6 : i32
    %shift_left3A_130 = vector.broadcast %shift_left3A_129 : i32 to vector<4096x16xi32>
    %shift_left3A_131 = arith.shli %xor3A_127, %shift_left3A_130 : vector<4096x16xi32>
    %shift_right_logical3A_132 = arith.constant 26 : i32
    %shift_right_logical3A_133 = vector.broadcast %shift_right_logical3A_132 : i32 to vector<4096x16xi32>
    %shift_right_logical3A_134 = arith.shrui %xor3A_127, %shift_right_logical3A_133 : vector<4096x16xi32>
    %or3A_135 = arith.ori %shift_left3A_131, %shift_right_logical3A_134 : vector<4096x16xi32>
    %xor3A_136 = arith.xori %or3A_135, %add3A_128 : vector<4096x16xi32>
    %add3A_137 = arith.constant 1832780943 : i32
    %add3A_138 = vector.broadcast %add3A_137 : i32 to vector<4096x16xi32>
    %add3A_139 = arith.addi %add3A_128, %add3A_138 : vector<4096x16xi32>
    %add3A_140 = arith.constant 270669613 : i32
    %add3A_141 = vector.broadcast %add3A_140 : i32 to vector<4096x16xi32>
    %add3A_142 = arith.addi %xor3A_136, %add3A_141 : vector<4096x16xi32>
    %add3A_143 = arith.constant 3 : i32
    %add3A_144 = vector.broadcast %add3A_143 : i32 to vector<4096x16xi32>
    %add3A_145 = arith.addi %add3A_142, %add3A_144 : vector<4096x16xi32>
    %add3A_146 = arith.addi %add3A_139, %add3A_145 : vector<4096x16xi32>
    %shift_left3A_147 = arith.constant 17 : i32
    %shift_left3A_148 = vector.broadcast %shift_left3A_147 : i32 to vector<4096x16xi32>
    %shift_left3A_149 = arith.shli %add3A_145, %shift_left3A_148 : vector<4096x16xi32>
    %shift_right_logical3A_150 = arith.constant 15 : i32
    %shift_right_logical3A_151 = vector.broadcast %shift_right_logical3A_150 : i32 to vector<4096x16xi32>
    %shift_right_logical3A_152 = arith.shrui %add3A_145, %shift_right_logical3A_151 : vector<4096x16xi32>
    %or3A_153 = arith.ori %shift_left3A_149, %shift_right_logical3A_152 : vector<4096x16xi32>
    %xor3A_154 = arith.xori %or3A_153, %add3A_146 : vector<4096x16xi32>
    %add3A_155 = arith.addi %add3A_146, %xor3A_154 : vector<4096x16xi32>
    %shift_left3A_156 = arith.constant 29 : i32
    %shift_left3A_157 = vector.broadcast %shift_left3A_156 : i32 to vector<4096x16xi32>
    %shift_left3A_158 = arith.shli %xor3A_154, %shift_left3A_157 : vector<4096x16xi32>
    %shift_right_logical3A_159 = arith.constant 3 : i32
    %shift_right_logical3A_160 = vector.broadcast %shift_right_logical3A_159 : i32 to vector<4096x16xi32>
    %shift_right_logical3A_161 = arith.shrui %xor3A_154, %shift_right_logical3A_160 : vector<4096x16xi32>
    %or3A_162 = arith.ori %shift_left3A_158, %shift_right_logical3A_161 : vector<4096x16xi32>
    %xor3A_163 = arith.xori %or3A_162, %add3A_155 : vector<4096x16xi32>
    %add3A_164 = arith.addi %add3A_155, %xor3A_163 : vector<4096x16xi32>
    %shift_left3A_165 = arith.constant 16 : i32
    %shift_left3A_166 = vector.broadcast %shift_left3A_165 : i32 to vector<4096x16xi32>
    %shift_left3A_167 = arith.shli %xor3A_163, %shift_left3A_166 : vector<4096x16xi32>
    %shift_right_logical3A_168 = arith.constant 16 : i32
    %shift_right_logical3A_169 = vector.broadcast %shift_right_logical3A_168 : i32 to vector<4096x16xi32>
    %shift_right_logical3A_170 = arith.shrui %xor3A_163, %shift_right_logical3A_169 : vector<4096x16xi32>
    %or3A_171 = arith.ori %shift_left3A_167, %shift_right_logical3A_170 : vector<4096x16xi32>
    %xor3A_172 = arith.xori %or3A_171, %add3A_164 : vector<4096x16xi32>
    %add3A_173 = arith.addi %add3A_164, %xor3A_172 : vector<4096x16xi32>
    %shift_left3A_174 = arith.constant 24 : i32
    %shift_left3A_175 = vector.broadcast %shift_left3A_174 : i32 to vector<4096x16xi32>
    %shift_left3A_176 = arith.shli %xor3A_172, %shift_left3A_175 : vector<4096x16xi32>
    %shift_right_logical3A_177 = arith.constant 8 : i32
    %shift_right_logical3A_178 = vector.broadcast %shift_right_logical3A_177 : i32 to vector<4096x16xi32>
    %shift_right_logical3A_179 = arith.shrui %xor3A_172, %shift_right_logical3A_178 : vector<4096x16xi32>
    %or3A_180 = arith.ori %shift_left3A_176, %shift_right_logical3A_179 : vector<4096x16xi32>
    %xor3A_181 = arith.xori %or3A_180, %add3A_173 : vector<4096x16xi32>
    %add3A_182 = arith.constant 270669613 : i32
    %add3A_183 = vector.broadcast %add3A_182 : i32 to vector<4096x16xi32>
    %add3A_184 = arith.addi %add3A_173, %add3A_183 : vector<4096x16xi32>
    %add3A_185 = vector.broadcast %xor3A_8 : i32 to vector<4096x16xi32>
    %add3A_186 = arith.addi %xor3A_181, %add3A_185 : vector<4096x16xi32>
    %add3A_187 = arith.constant 4 : i32
    %add3A_188 = vector.broadcast %add3A_187 : i32 to vector<4096x16xi32>
    %add3A_189 = arith.addi %add3A_186, %add3A_188 : vector<4096x16xi32>
    %add3A_190 = arith.addi %add3A_184, %add3A_189 : vector<4096x16xi32>
    %shift_left3A_191 = arith.constant 13 : i32
    %shift_left3A_192 = vector.broadcast %shift_left3A_191 : i32 to vector<4096x16xi32>
    %shift_left3A_193 = arith.shli %add3A_189, %shift_left3A_192 : vector<4096x16xi32>
    %shift_right_logical3A_194 = arith.constant 19 : i32
    %shift_right_logical3A_195 = vector.broadcast %shift_right_logical3A_194 : i32 to vector<4096x16xi32>
    %shift_right_logical3A_196 = arith.shrui %add3A_189, %shift_right_logical3A_195 : vector<4096x16xi32>
    %or3A_197 = arith.ori %shift_left3A_193, %shift_right_logical3A_196 : vector<4096x16xi32>
    %xor3A_198 = arith.xori %or3A_197, %add3A_190 : vector<4096x16xi32>
    %add3A_199 = arith.addi %add3A_190, %xor3A_198 : vector<4096x16xi32>
    %shift_left3A_200 = arith.constant 15 : i32
    %shift_left3A_201 = vector.broadcast %shift_left3A_200 : i32 to vector<4096x16xi32>
    %shift_left3A_202 = arith.shli %xor3A_198, %shift_left3A_201 : vector<4096x16xi32>
    %shift_right_logical3A_203 = arith.constant 17 : i32
    %shift_right_logical3A_204 = vector.broadcast %shift_right_logical3A_203 : i32 to vector<4096x16xi32>
    %shift_right_logical3A_205 = arith.shrui %xor3A_198, %shift_right_logical3A_204 : vector<4096x16xi32>
    %or3A_206 = arith.ori %shift_left3A_202, %shift_right_logical3A_205 : vector<4096x16xi32>
    %xor3A_207 = arith.xori %or3A_206, %add3A_199 : vector<4096x16xi32>
    %add3A_208 = arith.addi %add3A_199, %xor3A_207 : vector<4096x16xi32>
    %shift_left3A_209 = arith.constant 26 : i32
    %shift_left3A_210 = vector.broadcast %shift_left3A_209 : i32 to vector<4096x16xi32>
    %shift_left3A_211 = arith.shli %xor3A_207, %shift_left3A_210 : vector<4096x16xi32>
    %shift_right_logical3A_212 = arith.constant 6 : i32
    %shift_right_logical3A_213 = vector.broadcast %shift_right_logical3A_212 : i32 to vector<4096x16xi32>
    %shift_right_logical3A_214 = arith.shrui %xor3A_207, %shift_right_logical3A_213 : vector<4096x16xi32>
    %or3A_215 = arith.ori %shift_left3A_211, %shift_right_logical3A_214 : vector<4096x16xi32>
    %xor3A_216 = arith.xori %or3A_215, %add3A_208 : vector<4096x16xi32>
    %add3A_217 = arith.addi %add3A_208, %xor3A_216 : vector<4096x16xi32>
    %shift_left3A_218 = arith.constant 6 : i32
    %shift_left3A_219 = vector.broadcast %shift_left3A_218 : i32 to vector<4096x16xi32>
    %shift_left3A_220 = arith.shli %xor3A_216, %shift_left3A_219 : vector<4096x16xi32>
    %shift_right_logical3A_221 = arith.constant 26 : i32
    %shift_right_logical3A_222 = vector.broadcast %shift_right_logical3A_221 : i32 to vector<4096x16xi32>
    %shift_right_logical3A_223 = arith.shrui %xor3A_216, %shift_right_logical3A_222 : vector<4096x16xi32>
    %or3A_224 = arith.ori %shift_left3A_220, %shift_right_logical3A_223 : vector<4096x16xi32>
    %xor3A_225 = arith.xori %or3A_224, %add3A_217 : vector<4096x16xi32>
    %add3A_226 = vector.broadcast %xor3A_8 : i32 to vector<4096x16xi32>
    %add3A_227 = arith.addi %add3A_217, %add3A_226 : vector<4096x16xi32>
    %add3A_228 = arith.constant 1832780943 : i32
    %add3A_229 = vector.broadcast %add3A_228 : i32 to vector<4096x16xi32>
    %add3A_230 = arith.addi %xor3A_225, %add3A_229 : vector<4096x16xi32>
    %add3A_231 = arith.constant 5 : i32
    %add3A_232 = vector.broadcast %add3A_231 : i32 to vector<4096x16xi32>
    %add3A_233 = arith.addi %add3A_230, %add3A_232 : vector<4096x16xi32>
    %xor3A_234 = arith.xori %add3A_227, %add3A_233 : vector<4096x16xi32>
    %shift_right_logical3A_235 = arith.constant 9 : i32
    %shift_right_logical3A_236 = vector.broadcast %shift_right_logical3A_235 : i32 to vector<4096x16xi32>
    %shift_right_logical3A_237 = arith.shrui %xor3A_234, %shift_right_logical3A_236 : vector<4096x16xi32>
    %or3A_238 = arith.constant 1065353216 : i32
    %or3A_239 = vector.broadcast %or3A_238 : i32 to vector<4096x16xi32>
    %or3A_240 = arith.ori %shift_right_logical3A_237, %or3A_239 : vector<4096x16xi32>
    %bitcast_convert_type3A = tpu.bitcast %or3A_240 : vector<4096x16xi32> -> vector<4096x16xf32>
    %sub3A = arith.constant 1.000000e+00 : f32
    %sub3A_241 = vector.broadcast %sub3A : f32 to vector<4096x16xf32>
    %sub3A_242 = arith.subf %bitcast_convert_type3A, %sub3A_241 : vector<4096x16xf32>
    %mul3A_243 = arith.constant 1.000000e+00 : f32
    %mul3A_244 = vector.broadcast %mul3A_243 : f32 to vector<4096x16xf32>
    %mul3A_245 = arith.mulf %sub3A_242, %mul3A_244 : vector<4096x16xf32>
    %add3A_246 = arith.constant 1.17549435E-38 : f32
    %add3A_247 = vector.broadcast %add3A_246 : f32 to vector<4096x16xf32>
    %add3A_248 = arith.addf %mul3A_245, %add3A_247 : vector<4096x16xf32>
    %max3A = arith.constant 1.17549435E-38 : f32
    %max3A_249 = vector.broadcast %max3A : f32 to vector<4096x16xf32>
    %max3A_250 = arith.maximumf %max3A_249, %add3A_248 : vector<4096x16xf32>
    %log3A = math.log %max3A_250 : vector<4096x16xf32>
    %neg3A = arith.constant 0.000000e+00 : f32
    %neg3A_251 = vector.broadcast %neg3A : f32 to vector<4096x16xf32>
    %neg3A_252 = arith.subf %neg3A_251, %log3A : vector<4096x16xf32>
    %log3A_253 = math.log %neg3A_252 : vector<4096x16xf32>
    %neg3A_254 = arith.constant 0.000000e+00 : f32
    %neg3A_255 = vector.broadcast %neg3A_254 : f32 to vector<4096x16xf32>
    %neg3A_256 = arith.subf %neg3A_255, %log3A_253 : vector<4096x16xf32>
    %add3A_257 = arith.addf %get3A_1, %neg3A_256 : vector<4096x16xf32>
    %reduce_max3A = arith.constant dense<0xFF800000> : vector<4096xf32>
    %reduce_max3A_258 = vector.multi_reduction <maximumf>, %add3A_257, %reduce_max3A [1] : vector<4096x16xf32> to vector<4096xf32>
    %broadcast_in_dim3A_259 = vector.shape_cast %reduce_max3A_258 : vector<4096xf32> to vector<4096x1xf32>
    %ge3A = vector.broadcast %broadcast_in_dim3A_259 : vector<4096x1xf32> to vector<4096x16xf32>
    %ge3A_260 = arith.cmpf oge, %add3A_257, %ge3A : vector<4096x16xf32>
    %jit3A = arith.constant 16 : i32
    %broadcast_in_dim3A_261 = vector.broadcast %jit3A : i32 to vector<4096x16xi32>
    %select_n3A = arith.select %ge3A_260, %iota3A, %broadcast_in_dim3A_261 : vector<4096x16xi1>, vector<4096x16xi32>
    %reduce_min3A = arith.constant dense<2147483647> : vector<4096xi32>
    %reduce_min3A_262 = vector.multi_reduction <minsi>, %select_n3A, %reduce_min3A [1] : vector<4096x16xi32> to vector<4096xi32>
    %broadcast_in_dim3A_263 = vector.shape_cast %reduce_min3A_262 : vector<4096xi32> to vector<4096x1xi32>
    %eq3A = vector.broadcast %broadcast_in_dim3A_263 : vector<4096x1xi32> to vector<4096x16xi32>
    %eq3A_264 = arith.cmpi eq, %iota3A, %eq3A : vector<4096x16xi32>
    %convert_element_type3A = arith.extui %eq3A_264 : vector<4096x16xi1> to vector<4096x16xi32>
    %convert_element_type3A_265 = arith.sitofp %convert_element_type3A : vector<4096x16xi32> to vector<4096x16xf32>
    %get3A_266 = arith.constant 0 : index
    %get3A_267 = arith.constant 0 : index
    %get3A_268 = vector.load %arg4[%get3A_266, %get3A_267] : memref<16x128xf32, #tpu.memory_space<vmem>>, vector<16x128xf32>
    %dot_general3A = arith.constant dense<0.000000e+00> : vector<4096x128xf32>
    %dot_general3A_269 = tpu.matmul %convert_element_type3A_265, %get3A_268, %dot_general3A {dimension_numbers = #tpu.dot_dimension_numbers<[1], [0], [0], [1], [0, 0, 1, 1], [], []>, transpose_lhs_hint = false} : vector<4096x16xf32>, vector<16x128xf32>, vector<4096x128xf32> -> vector<4096x128xf32>
    %swap3A = arith.constant 0 : index
    %swap3A_270 = arith.constant 0 : index
    %swap3A_271 = vector.load %arg5[%swap3A, %swap3A_270] : memref<4096x128xf32, #tpu.memory_space<vmem>>, vector<4096x128xf32>
    tpu.vector_store %arg5[%swap3A, %swap3A_270], %dot_general3A_269 {strides = array<i32>} : memref<4096x128xf32, #tpu.memory_space<vmem>>, vector<4096x128xf32>,
    %iota3A_272 = tpu.iota {dimensions = array<i32: 0>} : vector<512x128xi32>
    %iota3A_273 = tpu.iota {dimensions = array<i32: 1>} : vector<512x128xi32>
    %mul3A_274 = arith.constant 128 : i32
    %mul3A_275 = vector.broadcast %mul3A_274 : i32 to vector<512x128xi32>
    %mul3A_276 = arith.muli %iota3A_272, %mul3A_275 : vector<512x128xi32>
    %add3A_277 = arith.addi %mul3A_276, %iota3A_273 : vector<512x128xi32>
    %mul3A_278 = arith.constant 4 : i32
    %mul3A_279 = vector.broadcast %mul3A_278 : i32 to vector<512x128xi32>
    %mul3A_280 = arith.muli %add3A_277, %mul3A_279 : vector<512x128xi32>
    %add3A_281 = arith.constant 0 : i32
    %add3A_282 = vector.broadcast %add3A_281 : i32 to vector<512x128xi32>
    %add3A_283 = arith.addi %mul3A_280, %add3A_282 : vector<512x128xi32>
    %xor3A_284 = arith.constant 64467757 : i32
    %xor3A_285 = arith.constant -1378843660 : i32
    %xor3A_286 = arith.xori %xor3A_284, %xor3A_285 : i32
    %xor3A_287 = arith.constant 466688986 : i32
    %xor3A_288 = arith.xori %xor3A_286, %xor3A_287 : i32
    %broadcast_in_dim3A_289 = arith.constant 0 : i32
    %broadcast_in_dim3A_290 = vector.broadcast %broadcast_in_dim3A_289 : i32 to vector<512x128xi32>
    %add3A_291 = arith.constant 64467757 : i32
    %add3A_292 = vector.broadcast %add3A_291 : i32 to vector<512x128xi32>
    %add3A_293 = arith.addi %broadcast_in_dim3A_290, %add3A_292 : vector<512x128xi32>
    %add3A_294 = arith.constant -1378843660 : i32
    %add3A_295 = vector.broadcast %add3A_294 : i32 to vector<512x128xi32>
    %add3A_296 = arith.addi %add3A_283, %add3A_295 : vector<512x128xi32>
    %add3A_297 = arith.addi %add3A_293, %add3A_296 : vector<512x128xi32>
    %shift_left3A_298 = arith.constant 13 : i32
    %shift_left3A_299 = vector.broadcast %shift_left3A_298 : i32 to vector<512x128xi32>
    %shift_left3A_300 = arith.shli %add3A_296, %shift_left3A_299 : vector<512x128xi32>
    %shift_right_logical3A_301 = arith.constant 19 : i32
    %shift_right_logical3A_302 = vector.broadcast %shift_right_logical3A_301 : i32 to vector<512x128xi32>
    %shift_right_logical3A_303 = arith.shrui %add3A_296, %shift_right_logical3A_302 : vector<512x128xi32>
    %or3A_304 = arith.ori %shift_left3A_300, %shift_right_logical3A_303 : vector<512x128xi32>
    %xor3A_305 = arith.xori %or3A_304, %add3A_297 : vector<512x128xi32>
    %add3A_306 = arith.addi %add3A_297, %xor3A_305 : vector<512x128xi32>
    %shift_left3A_307 = arith.constant 15 : i32
    %shift_left3A_308 = vector.broadcast %shift_left3A_307 : i32 to vector<512x128xi32>
    %shift_left3A_309 = arith.shli %xor3A_305, %shift_left3A_308 : vector<512x128xi32>
    %shift_right_logical3A_310 = arith.constant 17 : i32
    %shift_right_logical3A_311 = vector.broadcast %shift_right_logical3A_310 : i32 to vector<512x128xi32>
    %shift_right_logical3A_312 = arith.shrui %xor3A_305, %shift_right_logical3A_311 : vector<512x128xi32>
    %or3A_313 = arith.ori %shift_left3A_309, %shift_right_logical3A_312 : vector<512x128xi32>
    %xor3A_314 = arith.xori %or3A_313, %add3A_306 : vector<512x128xi32>
    %add3A_315 = arith.addi %add3A_306, %xor3A_314 : vector<512x128xi32>
    %shift_left3A_316 = arith.constant 26 : i32
    %shift_left3A_317 = vector.broadcast %shift_left3A_316 : i32 to vector<512x128xi32>
    %shift_left3A_318 = arith.shli %xor3A_314, %shift_left3A_317 : vector<512x128xi32>
    %shift_right_logical3A_319 = arith.constant 6 : i32
    %shift_right_logical3A_320 = vector.broadcast %shift_right_logical3A_319 : i32 to vector<512x128xi32>
    %shift_right_logical3A_321 = arith.shrui %xor3A_314, %shift_right_logical3A_320 : vector<512x128xi32>
    %or3A_322 = arith.ori %shift_left3A_318, %shift_right_logical3A_321 : vector<512x128xi32>
    %xor3A_323 = arith.xori %or3A_322, %add3A_315 : vector<512x128xi32>
    %add3A_324 = arith.addi %add3A_315, %xor3A_323 : vector<512x128xi32>
    %shift_left3A_325 = arith.constant 6 : i32
    %shift_left3A_326 = vector.broadcast %shift_left3A_325 : i32 to vector<512x128xi32>
    %shift_left3A_327 = arith.shli %xor3A_323, %shift_left3A_326 : vector<512x128xi32>
    %shift_right_logical3A_328 = arith.constant 26 : i32
    %shift_right_logical3A_329 = vector.broadcast %shift_right_logical3A_328 : i32 to vector<512x128xi32>
    %shift_right_logical3A_330 = arith.shrui %xor3A_323, %shift_right_logical3A_329 : vector<512x128xi32>
    %or3A_331 = arith.ori %shift_left3A_327, %shift_right_logical3A_330 : vector<512x128xi32>
    %xor3A_332 = arith.xori %or3A_331, %add3A_324 : vector<512x128xi32>
    %add3A_333 = arith.constant -1378843660 : i32
    %add3A_334 = vector.broadcast %add3A_333 : i32 to vector<512x128xi32>
    %add3A_335 = arith.addi %add3A_324, %add3A_334 : vector<512x128xi32>
    %add3A_336 = vector.broadcast %xor3A_288 : i32 to vector<512x128xi32>
    %add3A_337 = arith.addi %xor3A_332, %add3A_336 : vector<512x128xi32>
    %add3A_338 = arith.constant 1 : i32
    %add3A_339 = vector.broadcast %add3A_338 : i32 to vector<512x128xi32>
    %add3A_340 = arith.addi %add3A_337, %add3A_339 : vector<512x128xi32>
    %add3A_341 = arith.addi %add3A_335, %add3A_340 : vector<512x128xi32>
    %shift_left3A_342 = arith.constant 17 : i32
    %shift_left3A_343 = vector.broadcast %shift_left3A_342 : i32 to vector<512x128xi32>
    %shift_left3A_344 = arith.shli %add3A_340, %shift_left3A_343 : vector<512x128xi32>
    %shift_right_logical3A_345 = arith.constant 15 : i32
    %shift_right_logical3A_346 = vector.broadcast %shift_right_logical3A_345 : i32 to vector<512x128xi32>
    %shift_right_logical3A_347 = arith.shrui %add3A_340, %shift_right_logical3A_346 : vector<512x128xi32>
    %or3A_348 = arith.ori %shift_left3A_344, %shift_right_logical3A_347 : vector<512x128xi32>
    %xor3A_349 = arith.xori %or3A_348, %add3A_341 : vector<512x128xi32>
    %add3A_350 = arith.addi %add3A_341, %xor3A_349 : vector<512x128xi32>
    %shift_left3A_351 = arith.constant 29 : i32
    %shift_left3A_352 = vector.broadcast %shift_left3A_351 : i32 to vector<512x128xi32>
    %shift_left3A_353 = arith.shli %xor3A_349, %shift_left3A_352 : vector<512x128xi32>
    %shift_right_logical3A_354 = arith.constant 3 : i32
    %shift_right_logical3A_355 = vector.broadcast %shift_right_logical3A_354 : i32 to vector<512x128xi32>
    %shift_right_logical3A_356 = arith.shrui %xor3A_349, %shift_right_logical3A_355 : vector<512x128xi32>
    %or3A_357 = arith.ori %shift_left3A_353, %shift_right_logical3A_356 : vector<512x128xi32>
    %xor3A_358 = arith.xori %or3A_357, %add3A_350 : vector<512x128xi32>
    %add3A_359 = arith.addi %add3A_350, %xor3A_358 : vector<512x128xi32>
    %shift_left3A_360 = arith.constant 16 : i32
    %shift_left3A_361 = vector.broadcast %shift_left3A_360 : i32 to vector<512x128xi32>
    %shift_left3A_362 = arith.shli %xor3A_358, %shift_left3A_361 : vector<512x128xi32>
    %shift_right_logical3A_363 = arith.constant 16 : i32
    %shift_right_logical3A_364 = vector.broadcast %shift_right_logical3A_363 : i32 to vector<512x128xi32>
    %shift_right_logical3A_365 = arith.shrui %xor3A_358, %shift_right_logical3A_364 : vector<512x128xi32>
    %or3A_366 = arith.ori %shift_left3A_362, %shift_right_logical3A_365 : vector<512x128xi32>
    %xor3A_367 = arith.xori %or3A_366, %add3A_359 : vector<512x128xi32>
    %add3A_368 = arith.addi %add3A_359, %xor3A_367 : vector<512x128xi32>
    %shift_left3A_369 = arith.constant 24 : i32
    %shift_left3A_370 = vector.broadcast %shift_left3A_369 : i32 to vector<512x128xi32>
    %shift_left3A_371 = arith.shli %xor3A_367, %shift_left3A_370 : vector<512x128xi32>
    %shift_right_logical3A_372 = arith.constant 8 : i32
    %shift_right_logical3A_373 = vector.broadcast %shift_right_logical3A_372 : i32 to vector<512x128xi32>
    %shift_right_logical3A_374 = arith.shrui %xor3A_367, %shift_right_logical3A_373 : vector<512x128xi32>
    %or3A_375 = arith.ori %shift_left3A_371, %shift_right_logical3A_374 : vector<512x128xi32>
    %xor3A_376 = arith.xori %or3A_375, %add3A_368 : vector<512x128xi32>
    %add3A_377 = vector.broadcast %xor3A_288 : i32 to vector<512x128xi32>
    %add3A_378 = arith.addi %add3A_368, %add3A_377 : vector<512x128xi32>
    %add3A_379 = arith.constant 64467757 : i32
    %add3A_380 = vector.broadcast %add3A_379 : i32 to vector<512x128xi32>
    %add3A_381 = arith.addi %xor3A_376, %add3A_380 : vector<512x128xi32>
    %add3A_382 = arith.constant 2 : i32
    %add3A_383 = vector.broadcast %add3A_382 : i32 to vector<512x128xi32>
    %add3A_384 = arith.addi %add3A_381, %add3A_383 : vector<512x128xi32>
    %add3A_385 = arith.addi %add3A_378, %add3A_384 : vector<512x128xi32>
    %shift_left3A_386 = arith.constant 13 : i32
    %shift_left3A_387 = vector.broadcast %shift_left3A_386 : i32 to vector<512x128xi32>
    %shift_left3A_388 = arith.shli %add3A_384, %shift_left3A_387 : vector<512x128xi32>
    %shift_right_logical3A_389 = arith.constant 19 : i32
    %shift_right_logical3A_390 = vector.broadcast %shift_right_logical3A_389 : i32 to vector<512x128xi32>
    %shift_right_logical3A_391 = arith.shrui %add3A_384, %shift_right_logical3A_390 : vector<512x128xi32>
    %or3A_392 = arith.ori %shift_left3A_388, %shift_right_logical3A_391 : vector<512x128xi32>
    %xor3A_393 = arith.xori %or3A_392, %add3A_385 : vector<512x128xi32>
    %add3A_394 = arith.addi %add3A_385, %xor3A_393 : vector<512x128xi32>
    %shift_left3A_395 = arith.constant 15 : i32
    %shift_left3A_396 = vector.broadcast %shift_left3A_395 : i32 to vector<512x128xi32>
    %shift_left3A_397 = arith.shli %xor3A_393, %shift_left3A_396 : vector<512x128xi32>
    %shift_right_logical3A_398 = arith.constant 17 : i32
    %shift_right_logical3A_399 = vector.broadcast %shift_right_logical3A_398 : i32 to vector<512x128xi32>
    %shift_right_logical3A_400 = arith.shrui %xor3A_393, %shift_right_logical3A_399 : vector<512x128xi32>
    %or3A_401 = arith.ori %shift_left3A_397, %shift_right_logical3A_400 : vector<512x128xi32>
    %xor3A_402 = arith.xori %or3A_401, %add3A_394 : vector<512x128xi32>
    %add3A_403 = arith.addi %add3A_394, %xor3A_402 : vector<512x128xi32>
    %shift_left3A_404 = arith.constant 26 : i32
    %shift_left3A_405 = vector.broadcast %shift_left3A_404 : i32 to vector<512x128xi32>
    %shift_left3A_406 = arith.shli %xor3A_402, %shift_left3A_405 : vector<512x128xi32>
    %shift_right_logical3A_407 = arith.constant 6 : i32
    %shift_right_logical3A_408 = vector.broadcast %shift_right_logical3A_407 : i32 to vector<512x128xi32>
    %shift_right_logical3A_409 = arith.shrui %xor3A_402, %shift_right_logical3A_408 : vector<512x128xi32>
    %or3A_410 = arith.ori %shift_left3A_406, %shift_right_logical3A_409 : vector<512x128xi32>
    %xor3A_411 = arith.xori %or3A_410, %add3A_403 : vector<512x128xi32>
    %add3A_412 = arith.addi %add3A_403, %xor3A_411 : vector<512x128xi32>
    %shift_left3A_413 = arith.constant 6 : i32
    %shift_left3A_414 = vector.broadcast %shift_left3A_413 : i32 to vector<512x128xi32>
    %shift_left3A_415 = arith.shli %xor3A_411, %shift_left3A_414 : vector<512x128xi32>
    %shift_right_logical3A_416 = arith.constant 26 : i32
    %shift_right_logical3A_417 = vector.broadcast %shift_right_logical3A_416 : i32 to vector<512x128xi32>
    %shift_right_logical3A_418 = arith.shrui %xor3A_411, %shift_right_logical3A_417 : vector<512x128xi32>
    %or3A_419 = arith.ori %shift_left3A_415, %shift_right_logical3A_418 : vector<512x128xi32>
    %xor3A_420 = arith.xori %or3A_419, %add3A_412 : vector<512x128xi32>
    %add3A_421 = arith.constant 64467757 : i32
    %add3A_422 = vector.broadcast %add3A_421 : i32 to vector<512x128xi32>
    %add3A_423 = arith.addi %add3A_412, %add3A_422 : vector<512x128xi32>
    %add3A_424 = arith.constant -1378843660 : i32
    %add3A_425 = vector.broadcast %add3A_424 : i32 to vector<512x128xi32>
    %add3A_426 = arith.addi %xor3A_420, %add3A_425 : vector<512x128xi32>
    %add3A_427 = arith.constant 3 : i32
    %add3A_428 = vector.broadcast %add3A_427 : i32 to vector<512x128xi32>
    %add3A_429 = arith.addi %add3A_426, %add3A_428 : vector<512x128xi32>
    %add3A_430 = arith.addi %add3A_423, %add3A_429 : vector<512x128xi32>
    %shift_left3A_431 = arith.constant 17 : i32
    %shift_left3A_432 = vector.broadcast %shift_left3A_431 : i32 to vector<512x128xi32>
    %shift_left3A_433 = arith.shli %add3A_429, %shift_left3A_432 : vector<512x128xi32>
    %shift_right_logical3A_434 = arith.constant 15 : i32
    %shift_right_logical3A_435 = vector.broadcast %shift_right_logical3A_434 : i32 to vector<512x128xi32>
    %shift_right_logical3A_436 = arith.shrui %add3A_429, %shift_right_logical3A_435 : vector<512x128xi32>
    %or3A_437 = arith.ori %shift_left3A_433, %shift_right_logical3A_436 : vector<512x128xi32>
    %xor3A_438 = arith.xori %or3A_437, %add3A_430 : vector<512x128xi32>
    %add3A_439 = arith.addi %add3A_430, %xor3A_438 : vector<512x128xi32>
    %shift_left3A_440 = arith.constant 29 : i32
    %shift_left3A_441 = vector.broadcast %shift_left3A_440 : i32 to vector<512x128xi32>
    %shift_left3A_442 = arith.shli %xor3A_438, %shift_left3A_441 : vector<512x128xi32>
    %shift_right_logical3A_443 = arith.constant 3 : i32
    %shift_right_logical3A_444 = vector.broadcast %shift_right_logical3A_443 : i32 to vector<512x128xi32>
    %shift_right_logical3A_445 = arith.shrui %xor3A_438, %shift_right_logical3A_444 : vector<512x128xi32>
    %or3A_446 = arith.ori %shift_left3A_442, %shift_right_logical3A_445 : vector<512x128xi32>
    %xor3A_447 = arith.xori %or3A_446, %add3A_439 : vector<512x128xi32>
    %add3A_448 = arith.addi %add3A_439, %xor3A_447 : vector<512x128xi32>
    %shift_left3A_449 = arith.constant 16 : i32
    %shift_left3A_450 = vector.broadcast %shift_left3A_449 : i32 to vector<512x128xi32>
    %shift_left3A_451 = arith.shli %xor3A_447, %shift_left3A_450 : vector<512x128xi32>
    %shift_right_logical3A_452 = arith.constant 16 : i32
    %shift_right_logical3A_453 = vector.broadcast %shift_right_logical3A_452 : i32 to vector<512x128xi32>
    %shift_right_logical3A_454 = arith.shrui %xor3A_447, %shift_right_logical3A_453 : vector<512x128xi32>
    %or3A_455 = arith.ori %shift_left3A_451, %shift_right_logical3A_454 : vector<512x128xi32>
    %xor3A_456 = arith.xori %or3A_455, %add3A_448 : vector<512x128xi32>
    %add3A_457 = arith.addi %add3A_448, %xor3A_456 : vector<512x128xi32>
    %shift_left3A_458 = arith.constant 24 : i32
    %shift_left3A_459 = vector.broadcast %shift_left3A_458 : i32 to vector<512x128xi32>
    %shift_left3A_460 = arith.shli %xor3A_456, %shift_left3A_459 : vector<512x128xi32>
    %shift_right_logical3A_461 = arith.constant 8 : i32
    %shift_right_logical3A_462 = vector.broadcast %shift_right_logical3A_461 : i32 to vector<512x128xi32>
    %shift_right_logical3A_463 = arith.shrui %xor3A_456, %shift_right_logical3A_462 : vector<512x128xi32>
    %or3A_464 = arith.ori %shift_left3A_460, %shift_right_logical3A_463 : vector<512x128xi32>
    %xor3A_465 = arith.xori %or3A_464, %add3A_457 : vector<512x128xi32>
    %add3A_466 = arith.constant -1378843660 : i32
    %add3A_467 = vector.broadcast %add3A_466 : i32 to vector<512x128xi32>
    %add3A_468 = arith.addi %add3A_457, %add3A_467 : vector<512x128xi32>
    %add3A_469 = vector.broadcast %xor3A_288 : i32 to vector<512x128xi32>
    %add3A_470 = arith.addi %xor3A_465, %add3A_469 : vector<512x128xi32>
    %add3A_471 = arith.constant 4 : i32
    %add3A_472 = vector.broadcast %add3A_471 : i32 to vector<512x128xi32>
    %add3A_473 = arith.addi %add3A_470, %add3A_472 : vector<512x128xi32>
    %add3A_474 = arith.addi %add3A_468, %add3A_473 : vector<512x128xi32>
    %shift_left3A_475 = arith.constant 13 : i32
    %shift_left3A_476 = vector.broadcast %shift_left3A_475 : i32 to vector<512x128xi32>
    %shift_left3A_477 = arith.shli %add3A_473, %shift_left3A_476 : vector<512x128xi32>
    %shift_right_logical3A_478 = arith.constant 19 : i32
    %shift_right_logical3A_479 = vector.broadcast %shift_right_logical3A_478 : i32 to vector<512x128xi32>
    %shift_right_logical3A_480 = arith.shrui %add3A_473, %shift_right_logical3A_479 : vector<512x128xi32>
    %or3A_481 = arith.ori %shift_left3A_477, %shift_right_logical3A_480 : vector<512x128xi32>
    %xor3A_482 = arith.xori %or3A_481, %add3A_474 : vector<512x128xi32>
    %add3A_483 = arith.addi %add3A_474, %xor3A_482 : vector<512x128xi32>
    %shift_left3A_484 = arith.constant 15 : i32
    %shift_left3A_485 = vector.broadcast %shift_left3A_484 : i32 to vector<512x128xi32>
    %shift_left3A_486 = arith.shli %xor3A_482, %shift_left3A_485 : vector<512x128xi32>
    %shift_right_logical3A_487 = arith.constant 17 : i32
    %shift_right_logical3A_488 = vector.broadcast %shift_right_logical3A_487 : i32 to vector<512x128xi32>
    %shift_right_logical3A_489 = arith.shrui %xor3A_482, %shift_right_logical3A_488 : vector<512x128xi32>
    %or3A_490 = arith.ori %shift_left3A_486, %shift_right_logical3A_489 : vector<512x128xi32>
    %xor3A_491 = arith.xori %or3A_490, %add3A_483 : vector<512x128xi32>
    %add3A_492 = arith.addi %add3A_483, %xor3A_491 : vector<512x128xi32>
    %shift_left3A_493 = arith.constant 26 : i32
    %shift_left3A_494 = vector.broadcast %shift_left3A_493 : i32 to vector<512x128xi32>
    %shift_left3A_495 = arith.shli %xor3A_491, %shift_left3A_494 : vector<512x128xi32>
    %shift_right_logical3A_496 = arith.constant 6 : i32
    %shift_right_logical3A_497 = vector.broadcast %shift_right_logical3A_496 : i32 to vector<512x128xi32>
    %shift_right_logical3A_498 = arith.shrui %xor3A_491, %shift_right_logical3A_497 : vector<512x128xi32>
    %or3A_499 = arith.ori %shift_left3A_495, %shift_right_logical3A_498 : vector<512x128xi32>
    %xor3A_500 = arith.xori %or3A_499, %add3A_492 : vector<512x128xi32>
    %add3A_501 = arith.addi %add3A_492, %xor3A_500 : vector<512x128xi32>
    %shift_left3A_502 = arith.constant 6 : i32
    %shift_left3A_503 = vector.broadcast %shift_left3A_502 : i32 to vector<512x128xi32>
    %shift_left3A_504 = arith.shli %xor3A_500, %shift_left3A_503 : vector<512x128xi32>
    %shift_right_logical3A_505 = arith.constant 26 : i32
    %shift_right_logical3A_506 = vector.broadcast %shift_right_logical3A_505 : i32 to vector<512x128xi32>
    %shift_right_logical3A_507 = arith.shrui %xor3A_500, %shift_right_logical3A_506 : vector<512x128xi32>
    %or3A_508 = arith.ori %shift_left3A_504, %shift_right_logical3A_507 : vector<512x128xi32>
    %xor3A_509 = arith.xori %or3A_508, %add3A_501 : vector<512x128xi32>
    %add3A_510 = vector.broadcast %xor3A_288 : i32 to vector<512x128xi32>
    %add3A_511 = arith.addi %add3A_501, %add3A_510 : vector<512x128xi32>
    %add3A_512 = arith.constant 64467757 : i32
    %add3A_513 = vector.broadcast %add3A_512 : i32 to vector<512x128xi32>
    %add3A_514 = arith.addi %xor3A_509, %add3A_513 : vector<512x128xi32>
    %add3A_515 = arith.constant 5 : i32
    %add3A_516 = vector.broadcast %add3A_515 : i32 to vector<512x128xi32>
    %add3A_517 = arith.addi %add3A_514, %add3A_516 : vector<512x128xi32>
    %xor3A_518 = arith.xori %add3A_511, %add3A_517 : vector<512x128xi32>
    %shift_right_logical3A_519 = arith.constant 9 : i32
    %shift_right_logical3A_520 = vector.broadcast %shift_right_logical3A_519 : i32 to vector<512x128xi32>
    %shift_right_logical3A_521 = arith.shrui %xor3A_518, %shift_right_logical3A_520 : vector<512x128xi32>
    %or3A_522 = arith.constant 1065353216 : i32
    %or3A_523 = vector.broadcast %or3A_522 : i32 to vector<512x128xi32>
    %or3A_524 = arith.ori %shift_right_logical3A_521, %or3A_523 : vector<512x128xi32>
    %bitcast_convert_type3A_525 = tpu.bitcast %or3A_524 : vector<512x128xi32> -> vector<512x128xf32>
    %sub3A_526 = arith.constant 1.000000e+00 : f32
    %sub3A_527 = vector.broadcast %sub3A_526 : f32 to vector<512x128xf32>
    %sub3A_528 = arith.subf %bitcast_convert_type3A_525, %sub3A_527 : vector<512x128xf32>
    %mul3A_529 = arith.constant 1.000000e+00 : f32
    %mul3A_530 = vector.broadcast %mul3A_529 : f32 to vector<512x128xf32>
    %mul3A_531 = arith.mulf %sub3A_528, %mul3A_530 : vector<512x128xf32>
    %add3A_532 = arith.constant 1.17549435E-38 : f32
    %add3A_533 = vector.broadcast %add3A_532 : f32 to vector<512x128xf32>
    %add3A_534 = arith.addf %mul3A_531, %add3A_533 : vector<512x128xf32>
    %max3A_535 = arith.constant 1.17549435E-38 : f32
    %max3A_536 = vector.broadcast %max3A_535 : f32 to vector<512x128xf32>
    %max3A_537 = arith.maximumf %max3A_536, %add3A_534 : vector<512x128xf32>
    %get3A_538 = arith.constant 0 : index
    %get3A_539 = arith.constant 0 : index
    %get3A_540 = arith.constant 0 : index
    %get3A_541 = vector.load %arg1[%get3A_538, %get3A_539, %get3A_540] : memref<4x512x128xf32, #tpu.memory_space<vmem>>, vector<1x512x128xf32>
    %get3A_542 = vector.shape_cast %get3A_541 : vector<1x512x128xf32> to vector<512x128xf32>
    %log3A_543 = math.log %max3A_537 : vector<512x128xf32>
    %neg3A_544 = arith.constant 0.000000e+00 : f32
    %neg3A_545 = vector.broadcast %neg3A_544 : f32 to vector<512x128xf32>
    %neg3A_546 = arith.subf %neg3A_545, %log3A_543 : vector<512x128xf32>
    %log3A_547 = math.log %neg3A_546 : vector<512x128xf32>
    %sub3A_548 = arith.subf %get3A_542, %log3A_547 : vector<512x128xf32>
    %add3A_549 = arith.constant 1 : i32
    %add3A_550 = vector.broadcast %add3A_549 : i32 to vector<512x128xi32>
    %add3A_551 = arith.addi %mul3A_280, %add3A_550 : vector<512x128xi32>
    %xor3A_552 = arith.constant 64467757 : i32
    %xor3A_553 = arith.constant -1378843660 : i32
    %xor3A_554 = arith.xori %xor3A_552, %xor3A_553 : i32
    %xor3A_555 = arith.constant 466688986 : i32
    %xor3A_556 = arith.xori %xor3A_554, %xor3A_555 : i32
    %broadcast_in_dim3A_557 = arith.constant 0 : i32
    %broadcast_in_dim3A_558 = vector.broadcast %broadcast_in_dim3A_557 : i32 to vector<512x128xi32>
    %add3A_559 = arith.constant 64467757 : i32
    %add3A_560 = vector.broadcast %add3A_559 : i32 to vector<512x128xi32>
    %add3A_561 = arith.addi %broadcast_in_dim3A_558, %add3A_560 : vector<512x128xi32>
    %add3A_562 = arith.constant -1378843660 : i32
    %add3A_563 = vector.broadcast %add3A_562 : i32 to vector<512x128xi32>
    %add3A_564 = arith.addi %add3A_551, %add3A_563 : vector<512x128xi32>
    %add3A_565 = arith.addi %add3A_561, %add3A_564 : vector<512x128xi32>
    %shift_left3A_566 = arith.constant 13 : i32
    %shift_left3A_567 = vector.broadcast %shift_left3A_566 : i32 to vector<512x128xi32>
    %shift_left3A_568 = arith.shli %add3A_564, %shift_left3A_567 : vector<512x128xi32>
    %shift_right_logical3A_569 = arith.constant 19 : i32
    %shift_right_logical3A_570 = vector.broadcast %shift_right_logical3A_569 : i32 to vector<512x128xi32>
    %shift_right_logical3A_571 = arith.shrui %add3A_564, %shift_right_logical3A_570 : vector<512x128xi32>
    %or3A_572 = arith.ori %shift_left3A_568, %shift_right_logical3A_571 : vector<512x128xi32>
    %xor3A_573 = arith.xori %or3A_572, %add3A_565 : vector<512x128xi32>
    %add3A_574 = arith.addi %add3A_565, %xor3A_573 : vector<512x128xi32>
    %shift_left3A_575 = arith.constant 15 : i32
    %shift_left3A_576 = vector.broadcast %shift_left3A_575 : i32 to vector<512x128xi32>
    %shift_left3A_577 = arith.shli %xor3A_573, %shift_left3A_576 : vector<512x128xi32>
    %shift_right_logical3A_578 = arith.constant 17 : i32
    %shift_right_logical3A_579 = vector.broadcast %shift_right_logical3A_578 : i32 to vector<512x128xi32>
    %shift_right_logical3A_580 = arith.shrui %xor3A_573, %shift_right_logical3A_579 : vector<512x128xi32>
    %or3A_581 = arith.ori %shift_left3A_577, %shift_right_logical3A_580 : vector<512x128xi32>
    %xor3A_582 = arith.xori %or3A_581, %add3A_574 : vector<512x128xi32>
    %add3A_583 = arith.addi %add3A_574, %xor3A_582 : vector<512x128xi32>
    %shift_left3A_584 = arith.constant 26 : i32
    %shift_left3A_585 = vector.broadcast %shift_left3A_584 : i32 to vector<512x128xi32>
    %shift_left3A_586 = arith.shli %xor3A_582, %shift_left3A_585 : vector<512x128xi32>
    %shift_right_logical3A_587 = arith.constant 6 : i32
    %shift_right_logical3A_588 = vector.broadcast %shift_right_logical3A_587 : i32 to vector<512x128xi32>
    %shift_right_logical3A_589 = arith.shrui %xor3A_582, %shift_right_logical3A_588 : vector<512x128xi32>
    %or3A_590 = arith.ori %shift_left3A_586, %shift_right_logical3A_589 : vector<512x128xi32>
    %xor3A_591 = arith.xori %or3A_590, %add3A_583 : vector<512x128xi32>
    %add3A_592 = arith.addi %add3A_583, %xor3A_591 : vector<512x128xi32>
    %shift_left3A_593 = arith.constant 6 : i32
    %shift_left3A_594 = vector.broadcast %shift_left3A_593 : i32 to vector<512x128xi32>
    %shift_left3A_595 = arith.shli %xor3A_591, %shift_left3A_594 : vector<512x128xi32>
    %shift_right_logical3A_596 = arith.constant 26 : i32
    %shift_right_logical3A_597 = vector.broadcast %shift_right_logical3A_596 : i32 to vector<512x128xi32>
    %shift_right_logical3A_598 = arith.shrui %xor3A_591, %shift_right_logical3A_597 : vector<512x128xi32>
    %or3A_599 = arith.ori %shift_left3A_595, %shift_right_logical3A_598 : vector<512x128xi32>
    %xor3A_600 = arith.xori %or3A_599, %add3A_592 : vector<512x128xi32>
    %add3A_601 = arith.constant -1378843660 : i32
    %add3A_602 = vector.broadcast %add3A_601 : i32 to vector<512x128xi32>
    %add3A_603 = arith.addi %add3A_592, %add3A_602 : vector<512x128xi32>
    %add3A_604 = vector.broadcast %xor3A_556 : i32 to vector<512x128xi32>
    %add3A_605 = arith.addi %xor3A_600, %add3A_604 : vector<512x128xi32>
    %add3A_606 = arith.constant 1 : i32
    %add3A_607 = vector.broadcast %add3A_606 : i32 to vector<512x128xi32>
    %add3A_608 = arith.addi %add3A_605, %add3A_607 : vector<512x128xi32>
    %add3A_609 = arith.addi %add3A_603, %add3A_608 : vector<512x128xi32>
    %shift_left3A_610 = arith.constant 17 : i32
    %shift_left3A_611 = vector.broadcast %shift_left3A_610 : i32 to vector<512x128xi32>
    %shift_left3A_612 = arith.shli %add3A_608, %shift_left3A_611 : vector<512x128xi32>
    %shift_right_logical3A_613 = arith.constant 15 : i32
    %shift_right_logical3A_614 = vector.broadcast %shift_right_logical3A_613 : i32 to vector<512x128xi32>
    %shift_right_logical3A_615 = arith.shrui %add3A_608, %shift_right_logical3A_614 : vector<512x128xi32>
    %or3A_616 = arith.ori %shift_left3A_612, %shift_right_logical3A_615 : vector<512x128xi32>
    %xor3A_617 = arith.xori %or3A_616, %add3A_609 : vector<512x128xi32>
    %add3A_618 = arith.addi %add3A_609, %xor3A_617 : vector<512x128xi32>
    %shift_left3A_619 = arith.constant 29 : i32
    %shift_left3A_620 = vector.broadcast %shift_left3A_619 : i32 to vector<512x128xi32>
    %shift_left3A_621 = arith.shli %xor3A_617, %shift_left3A_620 : vector<512x128xi32>
    %shift_right_logical3A_622 = arith.constant 3 : i32
    %shift_right_logical3A_623 = vector.broadcast %shift_right_logical3A_622 : i32 to vector<512x128xi32>
    %shift_right_logical3A_624 = arith.shrui %xor3A_617, %shift_right_logical3A_623 : vector<512x128xi32>
    %or3A_625 = arith.ori %shift_left3A_621, %shift_right_logical3A_624 : vector<512x128xi32>
    %xor3A_626 = arith.xori %or3A_625, %add3A_618 : vector<512x128xi32>
    %add3A_627 = arith.addi %add3A_618, %xor3A_626 : vector<512x128xi32>
    %shift_left3A_628 = arith.constant 16 : i32
    %shift_left3A_629 = vector.broadcast %shift_left3A_628 : i32 to vector<512x128xi32>
    %shift_left3A_630 = arith.shli %xor3A_626, %shift_left3A_629 : vector<512x128xi32>
    %shift_right_logical3A_631 = arith.constant 16 : i32
    %shift_right_logical3A_632 = vector.broadcast %shift_right_logical3A_631 : i32 to vector<512x128xi32>
    %shift_right_logical3A_633 = arith.shrui %xor3A_626, %shift_right_logical3A_632 : vector<512x128xi32>
    %or3A_634 = arith.ori %shift_left3A_630, %shift_right_logical3A_633 : vector<512x128xi32>
    %xor3A_635 = arith.xori %or3A_634, %add3A_627 : vector<512x128xi32>
    %add3A_636 = arith.addi %add3A_627, %xor3A_635 : vector<512x128xi32>
    %shift_left3A_637 = arith.constant 24 : i32
    %shift_left3A_638 = vector.broadcast %shift_left3A_637 : i32 to vector<512x128xi32>
    %shift_left3A_639 = arith.shli %xor3A_635, %shift_left3A_638 : vector<512x128xi32>
    %shift_right_logical3A_640 = arith.constant 8 : i32
    %shift_right_logical3A_641 = vector.broadcast %shift_right_logical3A_640 : i32 to vector<512x128xi32>
    %shift_right_logical3A_642 = arith.shrui %xor3A_635, %shift_right_logical3A_641 : vector<512x128xi32>
    %or3A_643 = arith.ori %shift_left3A_639, %shift_right_logical3A_642 : vector<512x128xi32>
    %xor3A_644 = arith.xori %or3A_643, %add3A_636 : vector<512x128xi32>
    %add3A_645 = vector.broadcast %xor3A_556 : i32 to vector<512x128xi32>
    %add3A_646 = arith.addi %add3A_636, %add3A_645 : vector<512x128xi32>
    %add3A_647 = arith.constant 64467757 : i32
    %add3A_648 = vector.broadcast %add3A_647 : i32 to vector<512x128xi32>
    %add3A_649 = arith.addi %xor3A_644, %add3A_648 : vector<512x128xi32>
    %add3A_650 = arith.constant 2 : i32
    %add3A_651 = vector.broadcast %add3A_650 : i32 to vector<512x128xi32>
    %add3A_652 = arith.addi %add3A_649, %add3A_651 : vector<512x128xi32>
    %add3A_653 = arith.addi %add3A_646, %add3A_652 : vector<512x128xi32>
    %shift_left3A_654 = arith.constant 13 : i32
    %shift_left3A_655 = vector.broadcast %shift_left3A_654 : i32 to vector<512x128xi32>
    %shift_left3A_656 = arith.shli %add3A_652, %shift_left3A_655 : vector<512x128xi32>
    %shift_right_logical3A_657 = arith.constant 19 : i32
    %shift_right_logical3A_658 = vector.broadcast %shift_right_logical3A_657 : i32 to vector<512x128xi32>
    %shift_right_logical3A_659 = arith.shrui %add3A_652, %shift_right_logical3A_658 : vector<512x128xi32>
    %or3A_660 = arith.ori %shift_left3A_656, %shift_right_logical3A_659 : vector<512x128xi32>
    %xor3A_661 = arith.xori %or3A_660, %add3A_653 : vector<512x128xi32>
    %add3A_662 = arith.addi %add3A_653, %xor3A_661 : vector<512x128xi32>
    %shift_left3A_663 = arith.constant 15 : i32
    %shift_left3A_664 = vector.broadcast %shift_left3A_663 : i32 to vector<512x128xi32>
    %shift_left3A_665 = arith.shli %xor3A_661, %shift_left3A_664 : vector<512x128xi32>
    %shift_right_logical3A_666 = arith.constant 17 : i32
    %shift_right_logical3A_667 = vector.broadcast %shift_right_logical3A_666 : i32 to vector<512x128xi32>
    %shift_right_logical3A_668 = arith.shrui %xor3A_661, %shift_right_logical3A_667 : vector<512x128xi32>
    %or3A_669 = arith.ori %shift_left3A_665, %shift_right_logical3A_668 : vector<512x128xi32>
    %xor3A_670 = arith.xori %or3A_669, %add3A_662 : vector<512x128xi32>
    %add3A_671 = arith.addi %add3A_662, %xor3A_670 : vector<512x128xi32>
    %shift_left3A_672 = arith.constant 26 : i32
    %shift_left3A_673 = vector.broadcast %shift_left3A_672 : i32 to vector<512x128xi32>
    %shift_left3A_674 = arith.shli %xor3A_670, %shift_left3A_673 : vector<512x128xi32>
    %shift_right_logical3A_675 = arith.constant 6 : i32
    %shift_right_logical3A_676 = vector.broadcast %shift_right_logical3A_675 : i32 to vector<512x128xi32>
    %shift_right_logical3A_677 = arith.shrui %xor3A_670, %shift_right_logical3A_676 : vector<512x128xi32>
    %or3A_678 = arith.ori %shift_left3A_674, %shift_right_logical3A_677 : vector<512x128xi32>
    %xor3A_679 = arith.xori %or3A_678, %add3A_671 : vector<512x128xi32>
    %add3A_680 = arith.addi %add3A_671, %xor3A_679 : vector<512x128xi32>
    %shift_left3A_681 = arith.constant 6 : i32
    %shift_left3A_682 = vector.broadcast %shift_left3A_681 : i32 to vector<512x128xi32>
    %shift_left3A_683 = arith.shli %xor3A_679, %shift_left3A_682 : vector<512x128xi32>
    %shift_right_logical3A_684 = arith.constant 26 : i32
    %shift_right_logical3A_685 = vector.broadcast %shift_right_logical3A_684 : i32 to vector<512x128xi32>
    %shift_right_logical3A_686 = arith.shrui %xor3A_679, %shift_right_logical3A_685 : vector<512x128xi32>
    %or3A_687 = arith.ori %shift_left3A_683, %shift_right_logical3A_686 : vector<512x128xi32>
    %xor3A_688 = arith.xori %or3A_687, %add3A_680 : vector<512x128xi32>
    %add3A_689 = arith.constant 64467757 : i32
    %add3A_690 = vector.broadcast %add3A_689 : i32 to vector<512x128xi32>
    %add3A_691 = arith.addi %add3A_680, %add3A_690 : vector<512x128xi32>
    %add3A_692 = arith.constant -1378843660 : i32
    %add3A_693 = vector.broadcast %add3A_692 : i32 to vector<512x128xi32>
    %add3A_694 = arith.addi %xor3A_688, %add3A_693 : vector<512x128xi32>
    %add3A_695 = arith.constant 3 : i32
    %add3A_696 = vector.broadcast %add3A_695 : i32 to vector<512x128xi32>
    %add3A_697 = arith.addi %add3A_694, %add3A_696 : vector<512x128xi32>
    %add3A_698 = arith.addi %add3A_691, %add3A_697 : vector<512x128xi32>
    %shift_left3A_699 = arith.constant 17 : i32
    %shift_left3A_700 = vector.broadcast %shift_left3A_699 : i32 to vector<512x128xi32>
    %shift_left3A_701 = arith.shli %add3A_697, %shift_left3A_700 : vector<512x128xi32>
    %shift_right_logical3A_702 = arith.constant 15 : i32
    %shift_right_logical3A_703 = vector.broadcast %shift_right_logical3A_702 : i32 to vector<512x128xi32>
    %shift_right_logical3A_704 = arith.shrui %add3A_697, %shift_right_logical3A_703 : vector<512x128xi32>
    %or3A_705 = arith.ori %shift_left3A_701, %shift_right_logical3A_704 : vector<512x128xi32>
    %xor3A_706 = arith.xori %or3A_705, %add3A_698 : vector<512x128xi32>
    %add3A_707 = arith.addi %add3A_698, %xor3A_706 : vector<512x128xi32>
    %shift_left3A_708 = arith.constant 29 : i32
    %shift_left3A_709 = vector.broadcast %shift_left3A_708 : i32 to vector<512x128xi32>
    %shift_left3A_710 = arith.shli %xor3A_706, %shift_left3A_709 : vector<512x128xi32>
    %shift_right_logical3A_711 = arith.constant 3 : i32
    %shift_right_logical3A_712 = vector.broadcast %shift_right_logical3A_711 : i32 to vector<512x128xi32>
    %shift_right_logical3A_713 = arith.shrui %xor3A_706, %shift_right_logical3A_712 : vector<512x128xi32>
    %or3A_714 = arith.ori %shift_left3A_710, %shift_right_logical3A_713 : vector<512x128xi32>
    %xor3A_715 = arith.xori %or3A_714, %add3A_707 : vector<512x128xi32>
    %add3A_716 = arith.addi %add3A_707, %xor3A_715 : vector<512x128xi32>
    %shift_left3A_717 = arith.constant 16 : i32
    %shift_left3A_718 = vector.broadcast %shift_left3A_717 : i32 to vector<512x128xi32>
    %shift_left3A_719 = arith.shli %xor3A_715, %shift_left3A_718 : vector<512x128xi32>
    %shift_right_logical3A_720 = arith.constant 16 : i32
    %shift_right_logical3A_721 = vector.broadcast %shift_right_logical3A_720 : i32 to vector<512x128xi32>
    %shift_right_logical3A_722 = arith.shrui %xor3A_715, %shift_right_logical3A_721 : vector<512x128xi32>
    %or3A_723 = arith.ori %shift_left3A_719, %shift_right_logical3A_722 : vector<512x128xi32>
    %xor3A_724 = arith.xori %or3A_723, %add3A_716 : vector<512x128xi32>
    %add3A_725 = arith.addi %add3A_716, %xor3A_724 : vector<512x128xi32>
    %shift_left3A_726 = arith.constant 24 : i32
    %shift_left3A_727 = vector.broadcast %shift_left3A_726 : i32 to vector<512x128xi32>
    %shift_left3A_728 = arith.shli %xor3A_724, %shift_left3A_727 : vector<512x128xi32>
    %shift_right_logical3A_729 = arith.constant 8 : i32
    %shift_right_logical3A_730 = vector.broadcast %shift_right_logical3A_729 : i32 to vector<512x128xi32>
    %shift_right_logical3A_731 = arith.shrui %xor3A_724, %shift_right_logical3A_730 : vector<512x128xi32>
    %or3A_732 = arith.ori %shift_left3A_728, %shift_right_logical3A_731 : vector<512x128xi32>
    %xor3A_733 = arith.xori %or3A_732, %add3A_725 : vector<512x128xi32>
    %add3A_734 = arith.constant -1378843660 : i32
    %add3A_735 = vector.broadcast %add3A_734 : i32 to vector<512x128xi32>
    %add3A_736 = arith.addi %add3A_725, %add3A_735 : vector<512x128xi32>
    %add3A_737 = vector.broadcast %xor3A_556 : i32 to vector<512x128xi32>
    %add3A_738 = arith.addi %xor3A_733, %add3A_737 : vector<512x128xi32>
    %add3A_739 = arith.constant 4 : i32
    %add3A_740 = vector.broadcast %add3A_739 : i32 to vector<512x128xi32>
    %add3A_741 = arith.addi %add3A_738, %add3A_740 : vector<512x128xi32>
    %add3A_742 = arith.addi %add3A_736, %add3A_741 : vector<512x128xi32>
    %shift_left3A_743 = arith.constant 13 : i32
    %shift_left3A_744 = vector.broadcast %shift_left3A_743 : i32 to vector<512x128xi32>
    %shift_left3A_745 = arith.shli %add3A_741, %shift_left3A_744 : vector<512x128xi32>
    %shift_right_logical3A_746 = arith.constant 19 : i32
    %shift_right_logical3A_747 = vector.broadcast %shift_right_logical3A_746 : i32 to vector<512x128xi32>
    %shift_right_logical3A_748 = arith.shrui %add3A_741, %shift_right_logical3A_747 : vector<512x128xi32>
    %or3A_749 = arith.ori %shift_left3A_745, %shift_right_logical3A_748 : vector<512x128xi32>
    %xor3A_750 = arith.xori %or3A_749, %add3A_742 : vector<512x128xi32>
    %add3A_751 = arith.addi %add3A_742, %xor3A_750 : vector<512x128xi32>
    %shift_left3A_752 = arith.constant 15 : i32
    %shift_left3A_753 = vector.broadcast %shift_left3A_752 : i32 to vector<512x128xi32>
    %shift_left3A_754 = arith.shli %xor3A_750, %shift_left3A_753 : vector<512x128xi32>
    %shift_right_logical3A_755 = arith.constant 17 : i32
    %shift_right_logical3A_756 = vector.broadcast %shift_right_logical3A_755 : i32 to vector<512x128xi32>
    %shift_right_logical3A_757 = arith.shrui %xor3A_750, %shift_right_logical3A_756 : vector<512x128xi32>
    %or3A_758 = arith.ori %shift_left3A_754, %shift_right_logical3A_757 : vector<512x128xi32>
    %xor3A_759 = arith.xori %or3A_758, %add3A_751 : vector<512x128xi32>
    %add3A_760 = arith.addi %add3A_751, %xor3A_759 : vector<512x128xi32>
    %shift_left3A_761 = arith.constant 26 : i32
    %shift_left3A_762 = vector.broadcast %shift_left3A_761 : i32 to vector<512x128xi32>
    %shift_left3A_763 = arith.shli %xor3A_759, %shift_left3A_762 : vector<512x128xi32>
    %shift_right_logical3A_764 = arith.constant 6 : i32
    %shift_right_logical3A_765 = vector.broadcast %shift_right_logical3A_764 : i32 to vector<512x128xi32>
    %shift_right_logical3A_766 = arith.shrui %xor3A_759, %shift_right_logical3A_765 : vector<512x128xi32>
    %or3A_767 = arith.ori %shift_left3A_763, %shift_right_logical3A_766 : vector<512x128xi32>
    %xor3A_768 = arith.xori %or3A_767, %add3A_760 : vector<512x128xi32>
    %add3A_769 = arith.addi %add3A_760, %xor3A_768 : vector<512x128xi32>
    %shift_left3A_770 = arith.constant 6 : i32
    %shift_left3A_771 = vector.broadcast %shift_left3A_770 : i32 to vector<512x128xi32>
    %shift_left3A_772 = arith.shli %xor3A_768, %shift_left3A_771 : vector<512x128xi32>
    %shift_right_logical3A_773 = arith.constant 26 : i32
    %shift_right_logical3A_774 = vector.broadcast %shift_right_logical3A_773 : i32 to vector<512x128xi32>
    %shift_right_logical3A_775 = arith.shrui %xor3A_768, %shift_right_logical3A_774 : vector<512x128xi32>
    %or3A_776 = arith.ori %shift_left3A_772, %shift_right_logical3A_775 : vector<512x128xi32>
    %xor3A_777 = arith.xori %or3A_776, %add3A_769 : vector<512x128xi32>
    %add3A_778 = vector.broadcast %xor3A_556 : i32 to vector<512x128xi32>
    %add3A_779 = arith.addi %add3A_769, %add3A_778 : vector<512x128xi32>
    %add3A_780 = arith.constant 64467757 : i32
    %add3A_781 = vector.broadcast %add3A_780 : i32 to vector<512x128xi32>
    %add3A_782 = arith.addi %xor3A_777, %add3A_781 : vector<512x128xi32>
    %add3A_783 = arith.constant 5 : i32
    %add3A_784 = vector.broadcast %add3A_783 : i32 to vector<512x128xi32>
    %add3A_785 = arith.addi %add3A_782, %add3A_784 : vector<512x128xi32>
    %xor3A_786 = arith.xori %add3A_779, %add3A_785 : vector<512x128xi32>
    %shift_right_logical3A_787 = arith.constant 9 : i32
    %shift_right_logical3A_788 = vector.broadcast %shift_right_logical3A_787 : i32 to vector<512x128xi32>
    %shift_right_logical3A_789 = arith.shrui %xor3A_786, %shift_right_logical3A_788 : vector<512x128xi32>
    %or3A_790 = arith.constant 1065353216 : i32
    %or3A_791 = vector.broadcast %or3A_790 : i32 to vector<512x128xi32>
    %or3A_792 = arith.ori %shift_right_logical3A_789, %or3A_791 : vector<512x128xi32>
    %bitcast_convert_type3A_793 = tpu.bitcast %or3A_792 : vector<512x128xi32> -> vector<512x128xf32>
    %sub3A_794 = arith.constant 1.000000e+00 : f32
    %sub3A_795 = vector.broadcast %sub3A_794 : f32 to vector<512x128xf32>
    %sub3A_796 = arith.subf %bitcast_convert_type3A_793, %sub3A_795 : vector<512x128xf32>
    %mul3A_797 = arith.constant 1.000000e+00 : f32
    %mul3A_798 = vector.broadcast %mul3A_797 : f32 to vector<512x128xf32>
    %mul3A_799 = arith.mulf %sub3A_796, %mul3A_798 : vector<512x128xf32>
    %add3A_800 = arith.constant 1.17549435E-38 : f32
    %add3A_801 = vector.broadcast %add3A_800 : f32 to vector<512x128xf32>
    %add3A_802 = arith.addf %mul3A_799, %add3A_801 : vector<512x128xf32>
    %max3A_803 = arith.constant 1.17549435E-38 : f32
    %max3A_804 = vector.broadcast %max3A_803 : f32 to vector<512x128xf32>
    %max3A_805 = arith.maximumf %max3A_804, %add3A_802 : vector<512x128xf32>
    %get3A_806 = arith.constant 1 : index
    %get3A_807 = arith.constant 0 : index
    %get3A_808 = arith.constant 0 : index
    %get3A_809 = vector.load %arg1[%get3A_806, %get3A_807, %get3A_808] : memref<4x512x128xf32, #tpu.memory_space<vmem>>, vector<1x512x128xf32>
    %get3A_810 = vector.shape_cast %get3A_809 : vector<1x512x128xf32> to vector<512x128xf32>
    %log3A_811 = math.log %max3A_805 : vector<512x128xf32>
    %neg3A_812 = arith.constant 0.000000e+00 : f32
    %neg3A_813 = vector.broadcast %neg3A_812 : f32 to vector<512x128xf32>
    %neg3A_814 = arith.subf %neg3A_813, %log3A_811 : vector<512x128xf32>
    %log3A_815 = math.log %neg3A_814 : vector<512x128xf32>
    %sub3A_816 = arith.subf %get3A_810, %log3A_815 : vector<512x128xf32>
    %add3A_817 = arith.constant 2 : i32
    %add3A_818 = vector.broadcast %add3A_817 : i32 to vector<512x128xi32>
    %add3A_819 = arith.addi %mul3A_280, %add3A_818 : vector<512x128xi32>
    %xor3A_820 = arith.constant 64467757 : i32
    %xor3A_821 = arith.constant -1378843660 : i32
    %xor3A_822 = arith.xori %xor3A_820, %xor3A_821 : i32
    %xor3A_823 = arith.constant 466688986 : i32
    %xor3A_824 = arith.xori %xor3A_822, %xor3A_823 : i32
    %broadcast_in_dim3A_825 = arith.constant 0 : i32
    %broadcast_in_dim3A_826 = vector.broadcast %broadcast_in_dim3A_825 : i32 to vector<512x128xi32>
    %add3A_827 = arith.constant 64467757 : i32
    %add3A_828 = vector.broadcast %add3A_827 : i32 to vector<512x128xi32>
    %add3A_829 = arith.addi %broadcast_in_dim3A_826, %add3A_828 : vector<512x128xi32>
    %add3A_830 = arith.constant -1378843660 : i32
    %add3A_831 = vector.broadcast %add3A_830 : i32 to vector<512x128xi32>
    %add3A_832 = arith.addi %add3A_819, %add3A_831 : vector<512x128xi32>
    %add3A_833 = arith.addi %add3A_829, %add3A_832 : vector<512x128xi32>
    %shift_left3A_834 = arith.constant 13 : i32
    %shift_left3A_835 = vector.broadcast %shift_left3A_834 : i32 to vector<512x128xi32>
    %shift_left3A_836 = arith.shli %add3A_832, %shift_left3A_835 : vector<512x128xi32>
    %shift_right_logical3A_837 = arith.constant 19 : i32
    %shift_right_logical3A_838 = vector.broadcast %shift_right_logical3A_837 : i32 to vector<512x128xi32>
    %shift_right_logical3A_839 = arith.shrui %add3A_832, %shift_right_logical3A_838 : vector<512x128xi32>
    %or3A_840 = arith.ori %shift_left3A_836, %shift_right_logical3A_839 : vector<512x128xi32>
    %xor3A_841 = arith.xori %or3A_840, %add3A_833 : vector<512x128xi32>
    %add3A_842 = arith.addi %add3A_833, %xor3A_841 : vector<512x128xi32>
    %shift_left3A_843 = arith.constant 15 : i32
    %shift_left3A_844 = vector.broadcast %shift_left3A_843 : i32 to vector<512x128xi32>
    %shift_left3A_845 = arith.shli %xor3A_841, %shift_left3A_844 : vector<512x128xi32>
    %shift_right_logical3A_846 = arith.constant 17 : i32
    %shift_right_logical3A_847 = vector.broadcast %shift_right_logical3A_846 : i32 to vector<512x128xi32>
    %shift_right_logical3A_848 = arith.shrui %xor3A_841, %shift_right_logical3A_847 : vector<512x128xi32>
    %or3A_849 = arith.ori %shift_left3A_845, %shift_right_logical3A_848 : vector<512x128xi32>
    %xor3A_850 = arith.xori %or3A_849, %add3A_842 : vector<512x128xi32>
    %add3A_851 = arith.addi %add3A_842, %xor3A_850 : vector<512x128xi32>
    %shift_left3A_852 = arith.constant 26 : i32
    %shift_left3A_853 = vector.broadcast %shift_left3A_852 : i32 to vector<512x128xi32>
    %shift_left3A_854 = arith.shli %xor3A_850, %shift_left3A_853 : vector<512x128xi32>
    %shift_right_logical3A_855 = arith.constant 6 : i32
    %shift_right_logical3A_856 = vector.broadcast %shift_right_logical3A_855 : i32 to vector<512x128xi32>
    %shift_right_logical3A_857 = arith.shrui %xor3A_850, %shift_right_logical3A_856 : vector<512x128xi32>
    %or3A_858 = arith.ori %shift_left3A_854, %shift_right_logical3A_857 : vector<512x128xi32>
    %xor3A_859 = arith.xori %or3A_858, %add3A_851 : vector<512x128xi32>
    %add3A_860 = arith.addi %add3A_851, %xor3A_859 : vector<512x128xi32>
    %shift_left3A_861 = arith.constant 6 : i32
    %shift_left3A_862 = vector.broadcast %shift_left3A_861 : i32 to vector<512x128xi32>
    %shift_left3A_863 = arith.shli %xor3A_859, %shift_left3A_862 : vector<512x128xi32>
    %shift_right_logical3A_864 = arith.constant 26 : i32
    %shift_right_logical3A_865 = vector.broadcast %shift_right_logical3A_864 : i32 to vector<512x128xi32>
    %shift_right_logical3A_866 = arith.shrui %xor3A_859, %shift_right_logical3A_865 : vector<512x128xi32>
    %or3A_867 = arith.ori %shift_left3A_863, %shift_right_logical3A_866 : vector<512x128xi32>
    %xor3A_868 = arith.xori %or3A_867, %add3A_860 : vector<512x128xi32>
    %add3A_869 = arith.constant -1378843660 : i32
    %add3A_870 = vector.broadcast %add3A_869 : i32 to vector<512x128xi32>
    %add3A_871 = arith.addi %add3A_860, %add3A_870 : vector<512x128xi32>
    %add3A_872 = vector.broadcast %xor3A_824 : i32 to vector<512x128xi32>
    %add3A_873 = arith.addi %xor3A_868, %add3A_872 : vector<512x128xi32>
    %add3A_874 = arith.constant 1 : i32
    %add3A_875 = vector.broadcast %add3A_874 : i32 to vector<512x128xi32>
    %add3A_876 = arith.addi %add3A_873, %add3A_875 : vector<512x128xi32>
    %add3A_877 = arith.addi %add3A_871, %add3A_876 : vector<512x128xi32>
    %shift_left3A_878 = arith.constant 17 : i32
    %shift_left3A_879 = vector.broadcast %shift_left3A_878 : i32 to vector<512x128xi32>
    %shift_left3A_880 = arith.shli %add3A_876, %shift_left3A_879 : vector<512x128xi32>
    %shift_right_logical3A_881 = arith.constant 15 : i32
    %shift_right_logical3A_882 = vector.broadcast %shift_right_logical3A_881 : i32 to vector<512x128xi32>
    %shift_right_logical3A_883 = arith.shrui %add3A_876, %shift_right_logical3A_882 : vector<512x128xi32>
    %or3A_884 = arith.ori %shift_left3A_880, %shift_right_logical3A_883 : vector<512x128xi32>
    %xor3A_885 = arith.xori %or3A_884, %add3A_877 : vector<512x128xi32>
    %add3A_886 = arith.addi %add3A_877, %xor3A_885 : vector<512x128xi32>
    %shift_left3A_887 = arith.constant 29 : i32
    %shift_left3A_888 = vector.broadcast %shift_left3A_887 : i32 to vector<512x128xi32>
    %shift_left3A_889 = arith.shli %xor3A_885, %shift_left3A_888 : vector<512x128xi32>
    %shift_right_logical3A_890 = arith.constant 3 : i32
    %shift_right_logical3A_891 = vector.broadcast %shift_right_logical3A_890 : i32 to vector<512x128xi32>
    %shift_right_logical3A_892 = arith.shrui %xor3A_885, %shift_right_logical3A_891 : vector<512x128xi32>
    %or3A_893 = arith.ori %shift_left3A_889, %shift_right_logical3A_892 : vector<512x128xi32>
    %xor3A_894 = arith.xori %or3A_893, %add3A_886 : vector<512x128xi32>
    %add3A_895 = arith.addi %add3A_886, %xor3A_894 : vector<512x128xi32>
    %shift_left3A_896 = arith.constant 16 : i32
    %shift_left3A_897 = vector.broadcast %shift_left3A_896 : i32 to vector<512x128xi32>
    %shift_left3A_898 = arith.shli %xor3A_894, %shift_left3A_897 : vector<512x128xi32>
    %shift_right_logical3A_899 = arith.constant 16 : i32
    %shift_right_logical3A_900 = vector.broadcast %shift_right_logical3A_899 : i32 to vector<512x128xi32>
    %shift_right_logical3A_901 = arith.shrui %xor3A_894, %shift_right_logical3A_900 : vector<512x128xi32>
    %or3A_902 = arith.ori %shift_left3A_898, %shift_right_logical3A_901 : vector<512x128xi32>
    %xor3A_903 = arith.xori %or3A_902, %add3A_895 : vector<512x128xi32>
    %add3A_904 = arith.addi %add3A_895, %xor3A_903 : vector<512x128xi32>
    %shift_left3A_905 = arith.constant 24 : i32
    %shift_left3A_906 = vector.broadcast %shift_left3A_905 : i32 to vector<512x128xi32>
    %shift_left3A_907 = arith.shli %xor3A_903, %shift_left3A_906 : vector<512x128xi32>
    %shift_right_logical3A_908 = arith.constant 8 : i32
    %shift_right_logical3A_909 = vector.broadcast %shift_right_logical3A_908 : i32 to vector<512x128xi32>
    %shift_right_logical3A_910 = arith.shrui %xor3A_903, %shift_right_logical3A_909 : vector<512x128xi32>
    %or3A_911 = arith.ori %shift_left3A_907, %shift_right_logical3A_910 : vector<512x128xi32>
    %xor3A_912 = arith.xori %or3A_911, %add3A_904 : vector<512x128xi32>
    %add3A_913 = vector.broadcast %xor3A_824 : i32 to vector<512x128xi32>
    %add3A_914 = arith.addi %add3A_904, %add3A_913 : vector<512x128xi32>
    %add3A_915 = arith.constant 64467757 : i32
    %add3A_916 = vector.broadcast %add3A_915 : i32 to vector<512x128xi32>
    %add3A_917 = arith.addi %xor3A_912, %add3A_916 : vector<512x128xi32>
    %add3A_918 = arith.constant 2 : i32
    %add3A_919 = vector.broadcast %add3A_918 : i32 to vector<512x128xi32>
    %add3A_920 = arith.addi %add3A_917, %add3A_919 : vector<512x128xi32>
    %add3A_921 = arith.addi %add3A_914, %add3A_920 : vector<512x128xi32>
    %shift_left3A_922 = arith.constant 13 : i32
    %shift_left3A_923 = vector.broadcast %shift_left3A_922 : i32 to vector<512x128xi32>
    %shift_left3A_924 = arith.shli %add3A_920, %shift_left3A_923 : vector<512x128xi32>
    %shift_right_logical3A_925 = arith.constant 19 : i32
    %shift_right_logical3A_926 = vector.broadcast %shift_right_logical3A_925 : i32 to vector<512x128xi32>
    %shift_right_logical3A_927 = arith.shrui %add3A_920, %shift_right_logical3A_926 : vector<512x128xi32>
    %or3A_928 = arith.ori %shift_left3A_924, %shift_right_logical3A_927 : vector<512x128xi32>
    %xor3A_929 = arith.xori %or3A_928, %add3A_921 : vector<512x128xi32>
    %add3A_930 = arith.addi %add3A_921, %xor3A_929 : vector<512x128xi32>
    %shift_left3A_931 = arith.constant 15 : i32
    %shift_left3A_932 = vector.broadcast %shift_left3A_931 : i32 to vector<512x128xi32>
    %shift_left3A_933 = arith.shli %xor3A_929, %shift_left3A_932 : vector<512x128xi32>
    %shift_right_logical3A_934 = arith.constant 17 : i32
    %shift_right_logical3A_935 = vector.broadcast %shift_right_logical3A_934 : i32 to vector<512x128xi32>
    %shift_right_logical3A_936 = arith.shrui %xor3A_929, %shift_right_logical3A_935 : vector<512x128xi32>
    %or3A_937 = arith.ori %shift_left3A_933, %shift_right_logical3A_936 : vector<512x128xi32>
    %xor3A_938 = arith.xori %or3A_937, %add3A_930 : vector<512x128xi32>
    %add3A_939 = arith.addi %add3A_930, %xor3A_938 : vector<512x128xi32>
    %shift_left3A_940 = arith.constant 26 : i32
    %shift_left3A_941 = vector.broadcast %shift_left3A_940 : i32 to vector<512x128xi32>
    %shift_left3A_942 = arith.shli %xor3A_938, %shift_left3A_941 : vector<512x128xi32>
    %shift_right_logical3A_943 = arith.constant 6 : i32
    %shift_right_logical3A_944 = vector.broadcast %shift_right_logical3A_943 : i32 to vector<512x128xi32>
    %shift_right_logical3A_945 = arith.shrui %xor3A_938, %shift_right_logical3A_944 : vector<512x128xi32>
    %or3A_946 = arith.ori %shift_left3A_942, %shift_right_logical3A_945 : vector<512x128xi32>
    %xor3A_947 = arith.xori %or3A_946, %add3A_939 : vector<512x128xi32>
    %add3A_948 = arith.addi %add3A_939, %xor3A_947 : vector<512x128xi32>
    %shift_left3A_949 = arith.constant 6 : i32
    %shift_left3A_950 = vector.broadcast %shift_left3A_949 : i32 to vector<512x128xi32>
    %shift_left3A_951 = arith.shli %xor3A_947, %shift_left3A_950 : vector<512x128xi32>
    %shift_right_logical3A_952 = arith.constant 26 : i32
    %shift_right_logical3A_953 = vector.broadcast %shift_right_logical3A_952 : i32 to vector<512x128xi32>
    %shift_right_logical3A_954 = arith.shrui %xor3A_947, %shift_right_logical3A_953 : vector<512x128xi32>
    %or3A_955 = arith.ori %shift_left3A_951, %shift_right_logical3A_954 : vector<512x128xi32>
    %xor3A_956 = arith.xori %or3A_955, %add3A_948 : vector<512x128xi32>
    %add3A_957 = arith.constant 64467757 : i32
    %add3A_958 = vector.broadcast %add3A_957 : i32 to vector<512x128xi32>
    %add3A_959 = arith.addi %add3A_948, %add3A_958 : vector<512x128xi32>
    %add3A_960 = arith.constant -1378843660 : i32
    %add3A_961 = vector.broadcast %add3A_960 : i32 to vector<512x128xi32>
    %add3A_962 = arith.addi %xor3A_956, %add3A_961 : vector<512x128xi32>
    %add3A_963 = arith.constant 3 : i32
    %add3A_964 = vector.broadcast %add3A_963 : i32 to vector<512x128xi32>
    %add3A_965 = arith.addi %add3A_962, %add3A_964 : vector<512x128xi32>
    %add3A_966 = arith.addi %add3A_959, %add3A_965 : vector<512x128xi32>
    %shift_left3A_967 = arith.constant 17 : i32
    %shift_left3A_968 = vector.broadcast %shift_left3A_967 : i32 to vector<512x128xi32>
    %shift_left3A_969 = arith.shli %add3A_965, %shift_left3A_968 : vector<512x128xi32>
    %shift_right_logical3A_970 = arith.constant 15 : i32
    %shift_right_logical3A_971 = vector.broadcast %shift_right_logical3A_970 : i32 to vector<512x128xi32>
    %shift_right_logical3A_972 = arith.shrui %add3A_965, %shift_right_logical3A_971 : vector<512x128xi32>
    %or3A_973 = arith.ori %shift_left3A_969, %shift_right_logical3A_972 : vector<512x128xi32>
    %xor3A_974 = arith.xori %or3A_973, %add3A_966 : vector<512x128xi32>
    %add3A_975 = arith.addi %add3A_966, %xor3A_974 : vector<512x128xi32>
    %shift_left3A_976 = arith.constant 29 : i32
    %shift_left3A_977 = vector.broadcast %shift_left3A_976 : i32 to vector<512x128xi32>
    %shift_left3A_978 = arith.shli %xor3A_974, %shift_left3A_977 : vector<512x128xi32>
    %shift_right_logical3A_979 = arith.constant 3 : i32
    %shift_right_logical3A_980 = vector.broadcast %shift_right_logical3A_979 : i32 to vector<512x128xi32>
    %shift_right_logical3A_981 = arith.shrui %xor3A_974, %shift_right_logical3A_980 : vector<512x128xi32>
    %or3A_982 = arith.ori %shift_left3A_978, %shift_right_logical3A_981 : vector<512x128xi32>
    %xor3A_983 = arith.xori %or3A_982, %add3A_975 : vector<512x128xi32>
    %add3A_984 = arith.addi %add3A_975, %xor3A_983 : vector<512x128xi32>
    %shift_left3A_985 = arith.constant 16 : i32
    %shift_left3A_986 = vector.broadcast %shift_left3A_985 : i32 to vector<512x128xi32>
    %shift_left3A_987 = arith.shli %xor3A_983, %shift_left3A_986 : vector<512x128xi32>
    %shift_right_logical3A_988 = arith.constant 16 : i32
    %shift_right_logical3A_989 = vector.broadcast %shift_right_logical3A_988 : i32 to vector<512x128xi32>
    %shift_right_logical3A_990 = arith.shrui %xor3A_983, %shift_right_logical3A_989 : vector<512x128xi32>
    %or3A_991 = arith.ori %shift_left3A_987, %shift_right_logical3A_990 : vector<512x128xi32>
    %xor3A_992 = arith.xori %or3A_991, %add3A_984 : vector<512x128xi32>
    %add3A_993 = arith.addi %add3A_984, %xor3A_992 : vector<512x128xi32>
    %shift_left3A_994 = arith.constant 24 : i32
    %shift_left3A_995 = vector.broadcast %shift_left3A_994 : i32 to vector<512x128xi32>
    %shift_left3A_996 = arith.shli %xor3A_992, %shift_left3A_995 : vector<512x128xi32>
    %shift_right_logical3A_997 = arith.constant 8 : i32
    %shift_right_logical3A_998 = vector.broadcast %shift_right_logical3A_997 : i32 to vector<512x128xi32>
    %shift_right_logical3A_999 = arith.shrui %xor3A_992, %shift_right_logical3A_998 : vector<512x128xi32>
    %or3A_1000 = arith.ori %shift_left3A_996, %shift_right_logical3A_999 : vector<512x128xi32>
    %xor3A_1001 = arith.xori %or3A_1000, %add3A_993 : vector<512x128xi32>
    %add3A_1002 = arith.constant -1378843660 : i32
    %add3A_1003 = vector.broadcast %add3A_1002 : i32 to vector<512x128xi32>
    %add3A_1004 = arith.addi %add3A_993, %add3A_1003 : vector<512x128xi32>
    %add3A_1005 = vector.broadcast %xor3A_824 : i32 to vector<512x128xi32>
    %add3A_1006 = arith.addi %xor3A_1001, %add3A_1005 : vector<512x128xi32>
    %add3A_1007 = arith.constant 4 : i32
    %add3A_1008 = vector.broadcast %add3A_1007 : i32 to vector<512x128xi32>
    %add3A_1009 = arith.addi %add3A_1006, %add3A_1008 : vector<512x128xi32>
    %add3A_1010 = arith.addi %add3A_1004, %add3A_1009 : vector<512x128xi32>
    %shift_left3A_1011 = arith.constant 13 : i32
    %shift_left3A_1012 = vector.broadcast %shift_left3A_1011 : i32 to vector<512x128xi32>
    %shift_left3A_1013 = arith.shli %add3A_1009, %shift_left3A_1012 : vector<512x128xi32>
    %shift_right_logical3A_1014 = arith.constant 19 : i32
    %shift_right_logical3A_1015 = vector.broadcast %shift_right_logical3A_1014 : i32 to vector<512x128xi32>
    %shift_right_logical3A_1016 = arith.shrui %add3A_1009, %shift_right_logical3A_1015 : vector<512x128xi32>
    %or3A_1017 = arith.ori %shift_left3A_1013, %shift_right_logical3A_1016 : vector<512x128xi32>
    %xor3A_1018 = arith.xori %or3A_1017, %add3A_1010 : vector<512x128xi32>
    %add3A_1019 = arith.addi %add3A_1010, %xor3A_1018 : vector<512x128xi32>
    %shift_left3A_1020 = arith.constant 15 : i32
    %shift_left3A_1021 = vector.broadcast %shift_left3A_1020 : i32 to vector<512x128xi32>
    %shift_left3A_1022 = arith.shli %xor3A_1018, %shift_left3A_1021 : vector<512x128xi32>
    %shift_right_logical3A_1023 = arith.constant 17 : i32
    %shift_right_logical3A_1024 = vector.broadcast %shift_right_logical3A_1023 : i32 to vector<512x128xi32>
    %shift_right_logical3A_1025 = arith.shrui %xor3A_1018, %shift_right_logical3A_1024 : vector<512x128xi32>
    %or3A_1026 = arith.ori %shift_left3A_1022, %shift_right_logical3A_1025 : vector<512x128xi32>
    %xor3A_1027 = arith.xori %or3A_1026, %add3A_1019 : vector<512x128xi32>
    %add3A_1028 = arith.addi %add3A_1019, %xor3A_1027 : vector<512x128xi32>
    %shift_left3A_1029 = arith.constant 26 : i32
    %shift_left3A_1030 = vector.broadcast %shift_left3A_1029 : i32 to vector<512x128xi32>
    %shift_left3A_1031 = arith.shli %xor3A_1027, %shift_left3A_1030 : vector<512x128xi32>
    %shift_right_logical3A_1032 = arith.constant 6 : i32
    %shift_right_logical3A_1033 = vector.broadcast %shift_right_logical3A_1032 : i32 to vector<512x128xi32>
    %shift_right_logical3A_1034 = arith.shrui %xor3A_1027, %shift_right_logical3A_1033 : vector<512x128xi32>
    %or3A_1035 = arith.ori %shift_left3A_1031, %shift_right_logical3A_1034 : vector<512x128xi32>
    %xor3A_1036 = arith.xori %or3A_1035, %add3A_1028 : vector<512x128xi32>
    %add3A_1037 = arith.addi %add3A_1028, %xor3A_1036 : vector<512x128xi32>
    %shift_left3A_1038 = arith.constant 6 : i32
    %shift_left3A_1039 = vector.broadcast %shift_left3A_1038 : i32 to vector<512x128xi32>
    %shift_left3A_1040 = arith.shli %xor3A_1036, %shift_left3A_1039 : vector<512x128xi32>
    %shift_right_logical3A_1041 = arith.constant 26 : i32
    %shift_right_logical3A_1042 = vector.broadcast %shift_right_logical3A_1041 : i32 to vector<512x128xi32>
    %shift_right_logical3A_1043 = arith.shrui %xor3A_1036, %shift_right_logical3A_1042 : vector<512x128xi32>
    %or3A_1044 = arith.ori %shift_left3A_1040, %shift_right_logical3A_1043 : vector<512x128xi32>
    %xor3A_1045 = arith.xori %or3A_1044, %add3A_1037 : vector<512x128xi32>
    %add3A_1046 = vector.broadcast %xor3A_824 : i32 to vector<512x128xi32>
    %add3A_1047 = arith.addi %add3A_1037, %add3A_1046 : vector<512x128xi32>
    %add3A_1048 = arith.constant 64467757 : i32
    %add3A_1049 = vector.broadcast %add3A_1048 : i32 to vector<512x128xi32>
    %add3A_1050 = arith.addi %xor3A_1045, %add3A_1049 : vector<512x128xi32>
    %add3A_1051 = arith.constant 5 : i32
    %add3A_1052 = vector.broadcast %add3A_1051 : i32 to vector<512x128xi32>
    %add3A_1053 = arith.addi %add3A_1050, %add3A_1052 : vector<512x128xi32>
    %xor3A_1054 = arith.xori %add3A_1047, %add3A_1053 : vector<512x128xi32>
    %shift_right_logical3A_1055 = arith.constant 9 : i32
    %shift_right_logical3A_1056 = vector.broadcast %shift_right_logical3A_1055 : i32 to vector<512x128xi32>
    %shift_right_logical3A_1057 = arith.shrui %xor3A_1054, %shift_right_logical3A_1056 : vector<512x128xi32>
    %or3A_1058 = arith.constant 1065353216 : i32
    %or3A_1059 = vector.broadcast %or3A_1058 : i32 to vector<512x128xi32>
    %or3A_1060 = arith.ori %shift_right_logical3A_1057, %or3A_1059 : vector<512x128xi32>
    %bitcast_convert_type3A_1061 = tpu.bitcast %or3A_1060 : vector<512x128xi32> -> vector<512x128xf32>
    %sub3A_1062 = arith.constant 1.000000e+00 : f32
    %sub3A_1063 = vector.broadcast %sub3A_1062 : f32 to vector<512x128xf32>
    %sub3A_1064 = arith.subf %bitcast_convert_type3A_1061, %sub3A_1063 : vector<512x128xf32>
    %mul3A_1065 = arith.constant 1.000000e+00 : f32
    %mul3A_1066 = vector.broadcast %mul3A_1065 : f32 to vector<512x128xf32>
    %mul3A_1067 = arith.mulf %sub3A_1064, %mul3A_1066 : vector<512x128xf32>
    %add3A_1068 = arith.constant 1.17549435E-38 : f32
    %add3A_1069 = vector.broadcast %add3A_1068 : f32 to vector<512x128xf32>
    %add3A_1070 = arith.addf %mul3A_1067, %add3A_1069 : vector<512x128xf32>
    %max3A_1071 = arith.constant 1.17549435E-38 : f32
    %max3A_1072 = vector.broadcast %max3A_1071 : f32 to vector<512x128xf32>
    %max3A_1073 = arith.maximumf %max3A_1072, %add3A_1070 : vector<512x128xf32>
    %get3A_1074 = arith.constant 2 : index
    %get3A_1075 = arith.constant 0 : index
    %get3A_1076 = arith.constant 0 : index
    %get3A_1077 = vector.load %arg1[%get3A_1074, %get3A_1075, %get3A_1076] : memref<4x512x128xf32, #tpu.memory_space<vmem>>, vector<1x512x128xf32>
    %get3A_1078 = vector.shape_cast %get3A_1077 : vector<1x512x128xf32> to vector<512x128xf32>
    %log3A_1079 = math.log %max3A_1073 : vector<512x128xf32>
    %neg3A_1080 = arith.constant 0.000000e+00 : f32
    %neg3A_1081 = vector.broadcast %neg3A_1080 : f32 to vector<512x128xf32>
    %neg3A_1082 = arith.subf %neg3A_1081, %log3A_1079 : vector<512x128xf32>
    %log3A_1083 = math.log %neg3A_1082 : vector<512x128xf32>
    %sub3A_1084 = arith.subf %get3A_1078, %log3A_1083 : vector<512x128xf32>
    %add3A_1085 = arith.constant 3 : i32
    %add3A_1086 = vector.broadcast %add3A_1085 : i32 to vector<512x128xi32>
    %add3A_1087 = arith.addi %mul3A_280, %add3A_1086 : vector<512x128xi32>
    %xor3A_1088 = arith.constant 64467757 : i32
    %xor3A_1089 = arith.constant -1378843660 : i32
    %xor3A_1090 = arith.xori %xor3A_1088, %xor3A_1089 : i32
    %xor3A_1091 = arith.constant 466688986 : i32
    %xor3A_1092 = arith.xori %xor3A_1090, %xor3A_1091 : i32
    %broadcast_in_dim3A_1093 = arith.constant 0 : i32
    %broadcast_in_dim3A_1094 = vector.broadcast %broadcast_in_dim3A_1093 : i32 to vector<512x128xi32>
    %add3A_1095 = arith.constant 64467757 : i32
    %add3A_1096 = vector.broadcast %add3A_1095 : i32 to vector<512x128xi32>
    %add3A_1097 = arith.addi %broadcast_in_dim3A_1094, %add3A_1096 : vector<512x128xi32>
    %add3A_1098 = arith.constant -1378843660 : i32
    %add3A_1099 = vector.broadcast %add3A_1098 : i32 to vector<512x128xi32>
    %add3A_1100 = arith.addi %add3A_1087, %add3A_1099 : vector<512x128xi32>
    %add3A_1101 = arith.addi %add3A_1097, %add3A_1100 : vector<512x128xi32>
    %shift_left3A_1102 = arith.constant 13 : i32
    %shift_left3A_1103 = vector.broadcast %shift_left3A_1102 : i32 to vector<512x128xi32>
    %shift_left3A_1104 = arith.shli %add3A_1100, %shift_left3A_1103 : vector<512x128xi32>
    %shift_right_logical3A_1105 = arith.constant 19 : i32
    %shift_right_logical3A_1106 = vector.broadcast %shift_right_logical3A_1105 : i32 to vector<512x128xi32>
    %shift_right_logical3A_1107 = arith.shrui %add3A_1100, %shift_right_logical3A_1106 : vector<512x128xi32>
    %or3A_1108 = arith.ori %shift_left3A_1104, %shift_right_logical3A_1107 : vector<512x128xi32>
    %xor3A_1109 = arith.xori %or3A_1108, %add3A_1101 : vector<512x128xi32>
    %add3A_1110 = arith.addi %add3A_1101, %xor3A_1109 : vector<512x128xi32>
    %shift_left3A_1111 = arith.constant 15 : i32
    %shift_left3A_1112 = vector.broadcast %shift_left3A_1111 : i32 to vector<512x128xi32>
    %shift_left3A_1113 = arith.shli %xor3A_1109, %shift_left3A_1112 : vector<512x128xi32>
    %shift_right_logical3A_1114 = arith.constant 17 : i32
    %shift_right_logical3A_1115 = vector.broadcast %shift_right_logical3A_1114 : i32 to vector<512x128xi32>
    %shift_right_logical3A_1116 = arith.shrui %xor3A_1109, %shift_right_logical3A_1115 : vector<512x128xi32>
    %or3A_1117 = arith.ori %shift_left3A_1113, %shift_right_logical3A_1116 : vector<512x128xi32>
    %xor3A_1118 = arith.xori %or3A_1117, %add3A_1110 : vector<512x128xi32>
    %add3A_1119 = arith.addi %add3A_1110, %xor3A_1118 : vector<512x128xi32>
    %shift_left3A_1120 = arith.constant 26 : i32
    %shift_left3A_1121 = vector.broadcast %shift_left3A_1120 : i32 to vector<512x128xi32>
    %shift_left3A_1122 = arith.shli %xor3A_1118, %shift_left3A_1121 : vector<512x128xi32>
    %shift_right_logical3A_1123 = arith.constant 6 : i32
    %shift_right_logical3A_1124 = vector.broadcast %shift_right_logical3A_1123 : i32 to vector<512x128xi32>
    %shift_right_logical3A_1125 = arith.shrui %xor3A_1118, %shift_right_logical3A_1124 : vector<512x128xi32>
    %or3A_1126 = arith.ori %shift_left3A_1122, %shift_right_logical3A_1125 : vector<512x128xi32>
    %xor3A_1127 = arith.xori %or3A_1126, %add3A_1119 : vector<512x128xi32>
    %add3A_1128 = arith.addi %add3A_1119, %xor3A_1127 : vector<512x128xi32>
    %shift_left3A_1129 = arith.constant 6 : i32
    %shift_left3A_1130 = vector.broadcast %shift_left3A_1129 : i32 to vector<512x128xi32>
    %shift_left3A_1131 = arith.shli %xor3A_1127, %shift_left3A_1130 : vector<512x128xi32>
    %shift_right_logical3A_1132 = arith.constant 26 : i32
    %shift_right_logical3A_1133 = vector.broadcast %shift_right_logical3A_1132 : i32 to vector<512x128xi32>
    %shift_right_logical3A_1134 = arith.shrui %xor3A_1127, %shift_right_logical3A_1133 : vector<512x128xi32>
    %or3A_1135 = arith.ori %shift_left3A_1131, %shift_right_logical3A_1134 : vector<512x128xi32>
    %xor3A_1136 = arith.xori %or3A_1135, %add3A_1128 : vector<512x128xi32>
    %add3A_1137 = arith.constant -1378843660 : i32
    %add3A_1138 = vector.broadcast %add3A_1137 : i32 to vector<512x128xi32>
    %add3A_1139 = arith.addi %add3A_1128, %add3A_1138 : vector<512x128xi32>
    %add3A_1140 = vector.broadcast %xor3A_1092 : i32 to vector<512x128xi32>
    %add3A_1141 = arith.addi %xor3A_1136, %add3A_1140 : vector<512x128xi32>
    %add3A_1142 = arith.constant 1 : i32
    %add3A_1143 = vector.broadcast %add3A_1142 : i32 to vector<512x128xi32>
    %add3A_1144 = arith.addi %add3A_1141, %add3A_1143 : vector<512x128xi32>
    %add3A_1145 = arith.addi %add3A_1139, %add3A_1144 : vector<512x128xi32>
    %shift_left3A_1146 = arith.constant 17 : i32
    %shift_left3A_1147 = vector.broadcast %shift_left3A_1146 : i32 to vector<512x128xi32>
    %shift_left3A_1148 = arith.shli %add3A_1144, %shift_left3A_1147 : vector<512x128xi32>
    %shift_right_logical3A_1149 = arith.constant 15 : i32
    %shift_right_logical3A_1150 = vector.broadcast %shift_right_logical3A_1149 : i32 to vector<512x128xi32>
    %shift_right_logical3A_1151 = arith.shrui %add3A_1144, %shift_right_logical3A_1150 : vector<512x128xi32>
    %or3A_1152 = arith.ori %shift_left3A_1148, %shift_right_logical3A_1151 : vector<512x128xi32>
    %xor3A_1153 = arith.xori %or3A_1152, %add3A_1145 : vector<512x128xi32>
    %add3A_1154 = arith.addi %add3A_1145, %xor3A_1153 : vector<512x128xi32>
    %shift_left3A_1155 = arith.constant 29 : i32
    %shift_left3A_1156 = vector.broadcast %shift_left3A_1155 : i32 to vector<512x128xi32>
    %shift_left3A_1157 = arith.shli %xor3A_1153, %shift_left3A_1156 : vector<512x128xi32>
    %shift_right_logical3A_1158 = arith.constant 3 : i32
    %shift_right_logical3A_1159 = vector.broadcast %shift_right_logical3A_1158 : i32 to vector<512x128xi32>
    %shift_right_logical3A_1160 = arith.shrui %xor3A_1153, %shift_right_logical3A_1159 : vector<512x128xi32>
    %or3A_1161 = arith.ori %shift_left3A_1157, %shift_right_logical3A_1160 : vector<512x128xi32>
    %xor3A_1162 = arith.xori %or3A_1161, %add3A_1154 : vector<512x128xi32>
    %add3A_1163 = arith.addi %add3A_1154, %xor3A_1162 : vector<512x128xi32>
    %shift_left3A_1164 = arith.constant 16 : i32
    %shift_left3A_1165 = vector.broadcast %shift_left3A_1164 : i32 to vector<512x128xi32>
    %shift_left3A_1166 = arith.shli %xor3A_1162, %shift_left3A_1165 : vector<512x128xi32>
    %shift_right_logical3A_1167 = arith.constant 16 : i32
    %shift_right_logical3A_1168 = vector.broadcast %shift_right_logical3A_1167 : i32 to vector<512x128xi32>
    %shift_right_logical3A_1169 = arith.shrui %xor3A_1162, %shift_right_logical3A_1168 : vector<512x128xi32>
    %or3A_1170 = arith.ori %shift_left3A_1166, %shift_right_logical3A_1169 : vector<512x128xi32>
    %xor3A_1171 = arith.xori %or3A_1170, %add3A_1163 : vector<512x128xi32>
    %add3A_1172 = arith.addi %add3A_1163, %xor3A_1171 : vector<512x128xi32>
    %shift_left3A_1173 = arith.constant 24 : i32
    %shift_left3A_1174 = vector.broadcast %shift_left3A_1173 : i32 to vector<512x128xi32>
    %shift_left3A_1175 = arith.shli %xor3A_1171, %shift_left3A_1174 : vector<512x128xi32>
    %shift_right_logical3A_1176 = arith.constant 8 : i32
    %shift_right_logical3A_1177 = vector.broadcast %shift_right_logical3A_1176 : i32 to vector<512x128xi32>
    %shift_right_logical3A_1178 = arith.shrui %xor3A_1171, %shift_right_logical3A_1177 : vector<512x128xi32>
    %or3A_1179 = arith.ori %shift_left3A_1175, %shift_right_logical3A_1178 : vector<512x128xi32>
    %xor3A_1180 = arith.xori %or3A_1179, %add3A_1172 : vector<512x128xi32>
    %add3A_1181 = vector.broadcast %xor3A_1092 : i32 to vector<512x128xi32>
    %add3A_1182 = arith.addi %add3A_1172, %add3A_1181 : vector<512x128xi32>
    %add3A_1183 = arith.constant 64467757 : i32
    %add3A_1184 = vector.broadcast %add3A_1183 : i32 to vector<512x128xi32>
    %add3A_1185 = arith.addi %xor3A_1180, %add3A_1184 : vector<512x128xi32>
    %add3A_1186 = arith.constant 2 : i32
    %add3A_1187 = vector.broadcast %add3A_1186 : i32 to vector<512x128xi32>
    %add3A_1188 = arith.addi %add3A_1185, %add3A_1187 : vector<512x128xi32>
    %add3A_1189 = arith.addi %add3A_1182, %add3A_1188 : vector<512x128xi32>
    %shift_left3A_1190 = arith.constant 13 : i32
    %shift_left3A_1191 = vector.broadcast %shift_left3A_1190 : i32 to vector<512x128xi32>
    %shift_left3A_1192 = arith.shli %add3A_1188, %shift_left3A_1191 : vector<512x128xi32>
    %shift_right_logical3A_1193 = arith.constant 19 : i32
    %shift_right_logical3A_1194 = vector.broadcast %shift_right_logical3A_1193 : i32 to vector<512x128xi32>
    %shift_right_logical3A_1195 = arith.shrui %add3A_1188, %shift_right_logical3A_1194 : vector<512x128xi32>
    %or3A_1196 = arith.ori %shift_left3A_1192, %shift_right_logical3A_1195 : vector<512x128xi32>
    %xor3A_1197 = arith.xori %or3A_1196, %add3A_1189 : vector<512x128xi32>
    %add3A_1198 = arith.addi %add3A_1189, %xor3A_1197 : vector<512x128xi32>
    %shift_left3A_1199 = arith.constant 15 : i32
    %shift_left3A_1200 = vector.broadcast %shift_left3A_1199 : i32 to vector<512x128xi32>
    %shift_left3A_1201 = arith.shli %xor3A_1197, %shift_left3A_1200 : vector<512x128xi32>
    %shift_right_logical3A_1202 = arith.constant 17 : i32
    %shift_right_logical3A_1203 = vector.broadcast %shift_right_logical3A_1202 : i32 to vector<512x128xi32>
    %shift_right_logical3A_1204 = arith.shrui %xor3A_1197, %shift_right_logical3A_1203 : vector<512x128xi32>
    %or3A_1205 = arith.ori %shift_left3A_1201, %shift_right_logical3A_1204 : vector<512x128xi32>
    %xor3A_1206 = arith.xori %or3A_1205, %add3A_1198 : vector<512x128xi32>
    %add3A_1207 = arith.addi %add3A_1198, %xor3A_1206 : vector<512x128xi32>
    %shift_left3A_1208 = arith.constant 26 : i32
    %shift_left3A_1209 = vector.broadcast %shift_left3A_1208 : i32 to vector<512x128xi32>
    %shift_left3A_1210 = arith.shli %xor3A_1206, %shift_left3A_1209 : vector<512x128xi32>
    %shift_right_logical3A_1211 = arith.constant 6 : i32
    %shift_right_logical3A_1212 = vector.broadcast %shift_right_logical3A_1211 : i32 to vector<512x128xi32>
    %shift_right_logical3A_1213 = arith.shrui %xor3A_1206, %shift_right_logical3A_1212 : vector<512x128xi32>
    %or3A_1214 = arith.ori %shift_left3A_1210, %shift_right_logical3A_1213 : vector<512x128xi32>
    %xor3A_1215 = arith.xori %or3A_1214, %add3A_1207 : vector<512x128xi32>
    %add3A_1216 = arith.addi %add3A_1207, %xor3A_1215 : vector<512x128xi32>
    %shift_left3A_1217 = arith.constant 6 : i32
    %shift_left3A_1218 = vector.broadcast %shift_left3A_1217 : i32 to vector<512x128xi32>
    %shift_left3A_1219 = arith.shli %xor3A_1215, %shift_left3A_1218 : vector<512x128xi32>
    %shift_right_logical3A_1220 = arith.constant 26 : i32
    %shift_right_logical3A_1221 = vector.broadcast %shift_right_logical3A_1220 : i32 to vector<512x128xi32>
    %shift_right_logical3A_1222 = arith.shrui %xor3A_1215, %shift_right_logical3A_1221 : vector<512x128xi32>
    %or3A_1223 = arith.ori %shift_left3A_1219, %shift_right_logical3A_1222 : vector<512x128xi32>
    %xor3A_1224 = arith.xori %or3A_1223, %add3A_1216 : vector<512x128xi32>
    %add3A_1225 = arith.constant 64467757 : i32
    %add3A_1226 = vector.broadcast %add3A_1225 : i32 to vector<512x128xi32>
    %add3A_1227 = arith.addi %add3A_1216, %add3A_1226 : vector<512x128xi32>
    %add3A_1228 = arith.constant -1378843660 : i32
    %add3A_1229 = vector.broadcast %add3A_1228 : i32 to vector<512x128xi32>
    %add3A_1230 = arith.addi %xor3A_1224, %add3A_1229 : vector<512x128xi32>
    %add3A_1231 = arith.constant 3 : i32
    %add3A_1232 = vector.broadcast %add3A_1231 : i32 to vector<512x128xi32>
    %add3A_1233 = arith.addi %add3A_1230, %add3A_1232 : vector<512x128xi32>
    %add3A_1234 = arith.addi %add3A_1227, %add3A_1233 : vector<512x128xi32>
    %shift_left3A_1235 = arith.constant 17 : i32
    %shift_left3A_1236 = vector.broadcast %shift_left3A_1235 : i32 to vector<512x128xi32>
    %shift_left3A_1237 = arith.shli %add3A_1233, %shift_left3A_1236 : vector<512x128xi32>
    %shift_right_logical3A_1238 = arith.constant 15 : i32
    %shift_right_logical3A_1239 = vector.broadcast %shift_right_logical3A_1238 : i32 to vector<512x128xi32>
    %shift_right_logical3A_1240 = arith.shrui %add3A_1233, %shift_right_logical3A_1239 : vector<512x128xi32>
    %or3A_1241 = arith.ori %shift_left3A_1237, %shift_right_logical3A_1240 : vector<512x128xi32>
    %xor3A_1242 = arith.xori %or3A_1241, %add3A_1234 : vector<512x128xi32>
    %add3A_1243 = arith.addi %add3A_1234, %xor3A_1242 : vector<512x128xi32>
    %shift_left3A_1244 = arith.constant 29 : i32
    %shift_left3A_1245 = vector.broadcast %shift_left3A_1244 : i32 to vector<512x128xi32>
    %shift_left3A_1246 = arith.shli %xor3A_1242, %shift_left3A_1245 : vector<512x128xi32>
    %shift_right_logical3A_1247 = arith.constant 3 : i32
    %shift_right_logical3A_1248 = vector.broadcast %shift_right_logical3A_1247 : i32 to vector<512x128xi32>
    %shift_right_logical3A_1249 = arith.shrui %xor3A_1242, %shift_right_logical3A_1248 : vector<512x128xi32>
    %or3A_1250 = arith.ori %shift_left3A_1246, %shift_right_logical3A_1249 : vector<512x128xi32>
    %xor3A_1251 = arith.xori %or3A_1250, %add3A_1243 : vector<512x128xi32>
    %add3A_1252 = arith.addi %add3A_1243, %xor3A_1251 : vector<512x128xi32>
    %shift_left3A_1253 = arith.constant 16 : i32
    %shift_left3A_1254 = vector.broadcast %shift_left3A_1253 : i32 to vector<512x128xi32>
    %shift_left3A_1255 = arith.shli %xor3A_1251, %shift_left3A_1254 : vector<512x128xi32>
    %shift_right_logical3A_1256 = arith.constant 16 : i32
    %shift_right_logical3A_1257 = vector.broadcast %shift_right_logical3A_1256 : i32 to vector<512x128xi32>
    %shift_right_logical3A_1258 = arith.shrui %xor3A_1251, %shift_right_logical3A_1257 : vector<512x128xi32>
    %or3A_1259 = arith.ori %shift_left3A_1255, %shift_right_logical3A_1258 : vector<512x128xi32>
    %xor3A_1260 = arith.xori %or3A_1259, %add3A_1252 : vector<512x128xi32>
    %add3A_1261 = arith.addi %add3A_1252, %xor3A_1260 : vector<512x128xi32>
    %shift_left3A_1262 = arith.constant 24 : i32
    %shift_left3A_1263 = vector.broadcast %shift_left3A_1262 : i32 to vector<512x128xi32>
    %shift_left3A_1264 = arith.shli %xor3A_1260, %shift_left3A_1263 : vector<512x128xi32>
    %shift_right_logical3A_1265 = arith.constant 8 : i32
    %shift_right_logical3A_1266 = vector.broadcast %shift_right_logical3A_1265 : i32 to vector<512x128xi32>
    %shift_right_logical3A_1267 = arith.shrui %xor3A_1260, %shift_right_logical3A_1266 : vector<512x128xi32>
    %or3A_1268 = arith.ori %shift_left3A_1264, %shift_right_logical3A_1267 : vector<512x128xi32>
    %xor3A_1269 = arith.xori %or3A_1268, %add3A_1261 : vector<512x128xi32>
    %add3A_1270 = arith.constant -1378843660 : i32
    %add3A_1271 = vector.broadcast %add3A_1270 : i32 to vector<512x128xi32>
    %add3A_1272 = arith.addi %add3A_1261, %add3A_1271 : vector<512x128xi32>
    %add3A_1273 = vector.broadcast %xor3A_1092 : i32 to vector<512x128xi32>
    %add3A_1274 = arith.addi %xor3A_1269, %add3A_1273 : vector<512x128xi32>
    %add3A_1275 = arith.constant 4 : i32
    %add3A_1276 = vector.broadcast %add3A_1275 : i32 to vector<512x128xi32>
    %add3A_1277 = arith.addi %add3A_1274, %add3A_1276 : vector<512x128xi32>
    %add3A_1278 = arith.addi %add3A_1272, %add3A_1277 : vector<512x128xi32>
    %shift_left3A_1279 = arith.constant 13 : i32
    %shift_left3A_1280 = vector.broadcast %shift_left3A_1279 : i32 to vector<512x128xi32>
    %shift_left3A_1281 = arith.shli %add3A_1277, %shift_left3A_1280 : vector<512x128xi32>
    %shift_right_logical3A_1282 = arith.constant 19 : i32
    %shift_right_logical3A_1283 = vector.broadcast %shift_right_logical3A_1282 : i32 to vector<512x128xi32>
    %shift_right_logical3A_1284 = arith.shrui %add3A_1277, %shift_right_logical3A_1283 : vector<512x128xi32>
    %or3A_1285 = arith.ori %shift_left3A_1281, %shift_right_logical3A_1284 : vector<512x128xi32>
    %xor3A_1286 = arith.xori %or3A_1285, %add3A_1278 : vector<512x128xi32>
    %add3A_1287 = arith.addi %add3A_1278, %xor3A_1286 : vector<512x128xi32>
    %shift_left3A_1288 = arith.constant 15 : i32
    %shift_left3A_1289 = vector.broadcast %shift_left3A_1288 : i32 to vector<512x128xi32>
    %shift_left3A_1290 = arith.shli %xor3A_1286, %shift_left3A_1289 : vector<512x128xi32>
    %shift_right_logical3A_1291 = arith.constant 17 : i32
    %shift_right_logical3A_1292 = vector.broadcast %shift_right_logical3A_1291 : i32 to vector<512x128xi32>
    %shift_right_logical3A_1293 = arith.shrui %xor3A_1286, %shift_right_logical3A_1292 : vector<512x128xi32>
    %or3A_1294 = arith.ori %shift_left3A_1290, %shift_right_logical3A_1293 : vector<512x128xi32>
    %xor3A_1295 = arith.xori %or3A_1294, %add3A_1287 : vector<512x128xi32>
    %add3A_1296 = arith.addi %add3A_1287, %xor3A_1295 : vector<512x128xi32>
    %shift_left3A_1297 = arith.constant 26 : i32
    %shift_left3A_1298 = vector.broadcast %shift_left3A_1297 : i32 to vector<512x128xi32>
    %shift_left3A_1299 = arith.shli %xor3A_1295, %shift_left3A_1298 : vector<512x128xi32>
    %shift_right_logical3A_1300 = arith.constant 6 : i32
    %shift_right_logical3A_1301 = vector.broadcast %shift_right_logical3A_1300 : i32 to vector<512x128xi32>
    %shift_right_logical3A_1302 = arith.shrui %xor3A_1295, %shift_right_logical3A_1301 : vector<512x128xi32>
    %or3A_1303 = arith.ori %shift_left3A_1299, %shift_right_logical3A_1302 : vector<512x128xi32>
    %xor3A_1304 = arith.xori %or3A_1303, %add3A_1296 : vector<512x128xi32>
    %add3A_1305 = arith.addi %add3A_1296, %xor3A_1304 : vector<512x128xi32>
    %shift_left3A_1306 = arith.constant 6 : i32
    %shift_left3A_1307 = vector.broadcast %shift_left3A_1306 : i32 to vector<512x128xi32>
    %shift_left3A_1308 = arith.shli %xor3A_1304, %shift_left3A_1307 : vector<512x128xi32>
    %shift_right_logical3A_1309 = arith.constant 26 : i32
    %shift_right_logical3A_1310 = vector.broadcast %shift_right_logical3A_1309 : i32 to vector<512x128xi32>
    %shift_right_logical3A_1311 = arith.shrui %xor3A_1304, %shift_right_logical3A_1310 : vector<512x128xi32>
    %or3A_1312 = arith.ori %shift_left3A_1308, %shift_right_logical3A_1311 : vector<512x128xi32>
    %xor3A_1313 = arith.xori %or3A_1312, %add3A_1305 : vector<512x128xi32>
    %add3A_1314 = vector.broadcast %xor3A_1092 : i32 to vector<512x128xi32>
    %add3A_1315 = arith.addi %add3A_1305, %add3A_1314 : vector<512x128xi32>
    %add3A_1316 = arith.constant 64467757 : i32
    %add3A_1317 = vector.broadcast %add3A_1316 : i32 to vector<512x128xi32>
    %add3A_1318 = arith.addi %xor3A_1313, %add3A_1317 : vector<512x128xi32>
    %add3A_1319 = arith.constant 5 : i32
    %add3A_1320 = vector.broadcast %add3A_1319 : i32 to vector<512x128xi32>
    %add3A_1321 = arith.addi %add3A_1318, %add3A_1320 : vector<512x128xi32>
    %xor3A_1322 = arith.xori %add3A_1315, %add3A_1321 : vector<512x128xi32>
    %shift_right_logical3A_1323 = arith.constant 9 : i32
    %shift_right_logical3A_1324 = vector.broadcast %shift_right_logical3A_1323 : i32 to vector<512x128xi32>
    %shift_right_logical3A_1325 = arith.shrui %xor3A_1322, %shift_right_logical3A_1324 : vector<512x128xi32>
    %or3A_1326 = arith.constant 1065353216 : i32
    %or3A_1327 = vector.broadcast %or3A_1326 : i32 to vector<512x128xi32>
    %or3A_1328 = arith.ori %shift_right_logical3A_1325, %or3A_1327 : vector<512x128xi32>
    %bitcast_convert_type3A_1329 = tpu.bitcast %or3A_1328 : vector<512x128xi32> -> vector<512x128xf32>
    %sub3A_1330 = arith.constant 1.000000e+00 : f32
    %sub3A_1331 = vector.broadcast %sub3A_1330 : f32 to vector<512x128xf32>
    %sub3A_1332 = arith.subf %bitcast_convert_type3A_1329, %sub3A_1331 : vector<512x128xf32>
    %mul3A_1333 = arith.constant 1.000000e+00 : f32
    %mul3A_1334 = vector.broadcast %mul3A_1333 : f32 to vector<512x128xf32>
    %mul3A_1335 = arith.mulf %sub3A_1332, %mul3A_1334 : vector<512x128xf32>
    %add3A_1336 = arith.constant 1.17549435E-38 : f32
    %add3A_1337 = vector.broadcast %add3A_1336 : f32 to vector<512x128xf32>
    %add3A_1338 = arith.addf %mul3A_1335, %add3A_1337 : vector<512x128xf32>
    %max3A_1339 = arith.constant 1.17549435E-38 : f32
    %max3A_1340 = vector.broadcast %max3A_1339 : f32 to vector<512x128xf32>
    %max3A_1341 = arith.maximumf %max3A_1340, %add3A_1338 : vector<512x128xf32>
    %get3A_1342 = arith.constant 3 : index
    %get3A_1343 = arith.constant 0 : index
    %get3A_1344 = arith.constant 0 : index
    %get3A_1345 = vector.load %arg1[%get3A_1342, %get3A_1343, %get3A_1344] : memref<4x512x128xf32, #tpu.memory_space<vmem>>, vector<1x512x128xf32>
    %get3A_1346 = vector.shape_cast %get3A_1345 : vector<1x512x128xf32> to vector<512x128xf32>
    %log3A_1347 = math.log %max3A_1341 : vector<512x128xf32>
    %neg3A_1348 = arith.constant 0.000000e+00 : f32
    %neg3A_1349 = vector.broadcast %neg3A_1348 : f32 to vector<512x128xf32>
    %neg3A_1350 = arith.subf %neg3A_1349, %log3A_1347 : vector<512x128xf32>
    %log3A_1351 = math.log %neg3A_1350 : vector<512x128xf32>
    %sub3A_1352 = arith.subf %get3A_1346, %log3A_1351 : vector<512x128xf32>
    %gt3A = arith.cmpf ogt, %sub3A_816, %sub3A_548 : vector<512x128xf32>
    %gt3A_1353 = arith.cmpf ogt, %sub3A_1084, %sub3A_548 : vector<512x128xf32>
    %or3A_1354 = arith.ori %gt3A, %gt3A_1353 : vector<512x128xi1>
    %gt3A_1355 = arith.cmpf ogt, %sub3A_1352, %sub3A_548 : vector<512x128xf32>
    %or3A_1356 = arith.ori %or3A_1354, %gt3A_1355 : vector<512x128xi1>
    %get3A_1357 = arith.constant 0 : index
    %get3A_1358 = arith.constant 0 : index
    %get3A_1359 = vector.load %arg2[%get3A_1357, %get3A_1358] : memref<512x128xi32, #tpu.memory_space<vmem>>, vector<512x128xi32>
    %get3A_1360 = arith.constant 0 : index
    %get3A_1361 = arith.constant 0 : index
    %get3A_1362 = vector.load %arg3[%get3A_1360, %get3A_1361] : memref<512x128xi32, #tpu.memory_space<vmem>>, vector<512x128xi32>
    %broadcast_in_dim3A_1363 = arith.constant 4096 : i32
    %broadcast_in_dim3A_1364 = vector.broadcast %broadcast_in_dim3A_1363 : i32 to vector<512x128xi32>
    %swap3A_1365 = arith.constant 0 : index
    %swap3A_1366 = arith.constant 0 : index
    %swap3A_1367 = arith.constant 0 : index
    %swap3A_1368 = vector.load %arg6[%swap3A_1365, %swap3A_1366, %swap3A_1367] : memref<2x512x128xi32, #tpu.memory_space<vmem>>, vector<1x512x128xi32>
    %swap3A_1369 = vector.shape_cast %swap3A_1368 : vector<1x512x128xi32> to vector<512x128xi32>
    %swap3A_1370 = vector.shape_cast %get3A_1362 : vector<512x128xi32> to vector<1x512x128xi32>
    tpu.vector_store %arg6[%swap3A_1365, %swap3A_1366, %swap3A_1367], %swap3A_1370 {strides = array<i32>} : memref<2x512x128xi32, #tpu.memory_space<vmem>>, vector<1x512x128xi32>,
    %swap3A_1371 = arith.constant 1 : index
    %swap3A_1372 = arith.constant 0 : index
    %swap3A_1373 = arith.constant 0 : index
    %swap3A_1374 = vector.load %arg6[%swap3A_1371, %swap3A_1372, %swap3A_1373] : memref<2x512x128xi32, #tpu.memory_space<vmem>>, vector<1x512x128xi32>
    %swap3A_1375 = vector.shape_cast %swap3A_1374 : vector<1x512x128xi32> to vector<512x128xi32>
    %swap3A_1376 = vector.shape_cast %get3A_1359 : vector<512x128xi32> to vector<1x512x128xi32>
    tpu.vector_store %arg6[%swap3A_1371, %swap3A_1372, %swap3A_1373], %swap3A_1376 {strides = array<i32>} : memref<2x512x128xi32, #tpu.memory_space<vmem>>, vector<1x512x128xi32>,
    %select_n3A_1377 = arith.select %or3A_1356, %get3A_1359, %broadcast_in_dim3A_1364 : vector<512x128xi1>, vector<512x128xi32>
    %swap3A_1378 = arith.constant 0 : index
    %swap3A_1379 = arith.constant 0 : index
    %swap3A_1380 = arith.constant 0 : index
    %swap3A_1381 = vector.load %arg7[%swap3A_1378, %swap3A_1379, %swap3A_1380] : memref<2x512x128xi32, #tpu.memory_space<vmem>>, vector<1x512x128xi32>
    %swap3A_1382 = vector.shape_cast %swap3A_1381 : vector<1x512x128xi32> to vector<512x128xi32>
    %swap3A_1383 = vector.shape_cast %select_n3A_1377 : vector<512x128xi32> to vector<1x512x128xi32>
    tpu.vector_store %arg7[%swap3A_1378, %swap3A_1379, %swap3A_1380], %swap3A_1383 {strides = array<i32>} : memref<2x512x128xi32, #tpu.memory_space<vmem>>, vector<1x512x128xi32>,
    %select_n3A_1384 = arith.select %or3A_1356, %get3A_1362, %broadcast_in_dim3A_1364 : vector<512x128xi1>, vector<512x128xi32>
    %swap3A_1385 = arith.constant 1 : index
    %swap3A_1386 = arith.constant 0 : index
    %swap3A_1387 = arith.constant 0 : index
    %swap3A_1388 = vector.load %arg7[%swap3A_1385, %swap3A_1386, %swap3A_1387] : memref<2x512x128xi32, #tpu.memory_space<vmem>>, vector<1x512x128xi32>
    %swap3A_1389 = vector.shape_cast %swap3A_1388 : vector<1x512x128xi32> to vector<512x128xi32>
    %swap3A_1390 = vector.shape_cast %select_n3A_1384 : vector<512x128xi32> to vector<1x512x128xi32>
    tpu.vector_store %arg7[%swap3A_1385, %swap3A_1386, %swap3A_1387], %swap3A_1390 {strides = array<i32>} : memref<2x512x128xi32, #tpu.memory_space<vmem>>, vector<1x512x128xi32>,
    return
  }
}

module attributes {stable_mosaic.version = 14 : i64} {
  func.func @_tc_head_body(%arg0: memref<2x4096x128xf32, #tpu.memory_space<vmem>>, %arg1: memref<4096x128xf32, #tpu.memory_space<vmem>>, %arg2: memref<128x10xf32, #tpu.memory_space<vmem>>, %arg3: memref<4096x10xf32, #tpu.memory_space<vmem>>, %arg4: memref<1x1xf32, #tpu.memory_space<vmem>>) attributes {dimension_semantics = [], scalar_prefetch = 0 : i64, scratch_operands = 0 : i64, tpu.core_type = #tpu.core_type<tc>} {
    %get3A = arith.constant 0 : index
    %get3A_0 = arith.constant 0 : index
    %get3A_1 = arith.constant 0 : index
    %get3A_2 = vector.load %arg0[%get3A, %get3A_0, %get3A_1] : memref<2x4096x128xf32, #tpu.memory_space<vmem>>, vector<1x4096x128xf32>
    %get3A_3 = vector.shape_cast %get3A_2 : vector<1x4096x128xf32> to vector<4096x128xf32>
    %get3A_4 = arith.constant 1 : index
    %get3A_5 = arith.constant 0 : index
    %get3A_6 = arith.constant 0 : index
    %get3A_7 = vector.load %arg0[%get3A_4, %get3A_5, %get3A_6] : memref<2x4096x128xf32, #tpu.memory_space<vmem>>, vector<1x4096x128xf32>
    %get3A_8 = vector.shape_cast %get3A_7 : vector<1x4096x128xf32> to vector<4096x128xf32>
    %add3A = arith.addf %get3A_3, %get3A_8 : vector<4096x128xf32>
    %get3A_9 = arith.constant 0 : index
    %get3A_10 = arith.constant 0 : index
    %get3A_11 = vector.load %arg1[%get3A_9, %get3A_10] : memref<4096x128xf32, #tpu.memory_space<vmem>>, vector<4096x128xf32>
    %sub3A = arith.subf %add3A, %get3A_11 : vector<4096x128xf32>
    %max3A = arith.constant 0.000000e+00 : f32
    %max3A_12 = vector.broadcast %max3A : f32 to vector<4096x128xf32>
    %max3A_13 = arith.maximumf %sub3A, %max3A_12 : vector<4096x128xf32>
    %get3A_14 = arith.constant 0 : index
    %get3A_15 = arith.constant 0 : index
    %get3A_16 = vector.load %arg2[%get3A_14, %get3A_15] : memref<128x10xf32, #tpu.memory_space<vmem>>, vector<128x10xf32>
    %dot_general3A = arith.constant dense<0.000000e+00> : vector<4096x10xf32>
    %dot_general3A_17 = tpu.matmul %max3A_13, %get3A_16, %dot_general3A {dimension_numbers = #tpu.dot_dimension_numbers<[1], [0], [0], [1], [0, 0, 1, 1], [], []>, transpose_lhs_hint = false} : vector<4096x128xf32>, vector<128x10xf32>, vector<4096x10xf32> -> vector<4096x10xf32>
    %reduce_max3A = arith.constant dense<0xFF800000> : vector<4096xf32>
    %reduce_max3A_18 = vector.multi_reduction <maximumf>, %dot_general3A_17, %reduce_max3A [1] : vector<4096x10xf32> to vector<4096xf32>
    %broadcast_in_dim3A = vector.shape_cast %reduce_max3A_18 : vector<4096xf32> to vector<4096x1xf32>
    %sub3A_19 = vector.broadcast %broadcast_in_dim3A : vector<4096x1xf32> to vector<4096x10xf32>
    %sub3A_20 = arith.subf %dot_general3A_17, %sub3A_19 : vector<4096x10xf32>
    %exp3A = math.exp %sub3A_20 : vector<4096x10xf32>
    %reduce_sum3A = arith.constant dense<0.000000e+00> : vector<4096xf32>
    %reduce_sum3A_21 = vector.multi_reduction <add>, %exp3A, %reduce_sum3A [1] : vector<4096x10xf32> to vector<4096xf32>
    %broadcast_in_dim3A_22 = vector.shape_cast %reduce_sum3A_21 : vector<4096xf32> to vector<4096x1xf32>
    %log3A = math.log %broadcast_in_dim3A_22 : vector<4096x1xf32>
    %add3A_23 = arith.addf %log3A, %broadcast_in_dim3A : vector<4096x1xf32>
    %sub3A_24 = vector.broadcast %add3A_23 : vector<4096x1xf32> to vector<4096x10xf32>
    %sub3A_25 = arith.subf %dot_general3A_17, %sub3A_24 : vector<4096x10xf32>
    %get3A_26 = arith.constant 0 : index
    %get3A_27 = arith.constant 0 : index
    %get3A_28 = vector.load %arg3[%get3A_26, %get3A_27] : memref<4096x10xf32, #tpu.memory_space<vmem>>, vector<4096x10xf32>
    %mul3A = arith.mulf %sub3A_25, %get3A_28 : vector<4096x10xf32>
    %reduce_sum3A_29 = vector.shape_cast %mul3A : vector<4096x10xf32> to vector<1x4096x10xf32>
    %reduce_sum3A_30 = arith.constant dense<0.000000e+00> : vector<1xf32>
    %reduce_sum3A_31 = vector.multi_reduction <add>, %reduce_sum3A_29, %reduce_sum3A_30 [1, 2] : vector<1x4096x10xf32> to vector<1xf32>
    %reduce_sum3A_32 = vector.shape_cast %reduce_sum3A_31 : vector<1xf32> to vector<1x1x1xf32>
    %reduce_sum3A_33 = vector.extract %reduce_sum3A_32[0, 0, 0] : f32 from vector<1x1x1xf32>
    %neg3A = arith.constant 0.000000e+00 : f32
    %neg3A_34 = arith.subf %neg3A, %reduce_sum3A_33 : f32
    %div3A = arith.constant 4.096000e+03 : f32
    %div3A_35 = arith.divf %neg3A_34, %div3A : f32
    %reshape3A = vector.broadcast %div3A_35 : f32 to vector<1x1xf32>
    %swap3A = arith.constant 0 : index
    %swap3A_36 = arith.constant 0 : index
    %swap3A_37 = vector.load %arg4[%swap3A, %swap3A_36] : memref<1x1xf32, #tpu.memory_space<vmem>>, vector<1x1xf32>
    tpu.vector_store %arg4[%swap3A, %swap3A_36], %reshape3A {strides = array<i32>} : memref<1x1xf32, #tpu.memory_space<vmem>>, vector<1x1xf32>,
    return
  }
}

</mosaic_0001>

<sc_bundles>
// kernel: kernel.5.cloned.1.call-start
scs
__scs_entry_jumppad:
0x0: {  	(pc) =	sbr.rel $0x88, $3  }
0x1: {  	(tag) =	ssettag $0x0;
	lr =	simm.s32 $0x1  }
0x2: {  	[smem:$0x3F9A] =	sst lr;
	_ =	strace $0xD0000000  }
0x3: {  	_ = 	snop  }
0x4: {  	_ = 	snop  }
0x5: {  	_ = 	snop  }
0x6: {  	_ = 	snop  }
0x7: {  	_ = 	snop  }
__scs_overlays_trampoline_lowered:
0x8: {  	[smem:$0x3FA9] =	sst s0  }
0x9: {  	[smem:$0x3FAA] =	sst s1  }
0xa: {  	[smem:$0x3FAB] =	sst s2  }
0xb: {  	[smem:$0x3FAC] =	sst s3  }
0xc: {  	[smem:$0x3FAD] =	sst s4  }
0xd: {  	[smem:$0x3FAE] =	sst s5  }
0xe: {  	[smem:$0x3FAF] =	sst s6  }
0xf: {  	[smem:$0x3FB0] =	sst s7  }
0x10: {  	[smem:$0x3FB1] =	sst s8  }
0x11: {  	[smem:$0x3FB2] =	sst s9;
	s0 =	simm.s32 @!p0 $0x0  }
0x12: {  	s1 =	sld [smem:$0x3F98];
	s0 =	simm.s32 @p0 $0x1  }
0x13: {  	[smem:$0x3FB3] =	sst s0;
	s0 =	simm.s32 @!p1 $0x0  }
0x14: {  	s2 =	sld [smem:$0x3F97];
	s0 =	simm.s32 @p1 $0x1  }
0x15: {  	[smem:$0x3FB4] =	sst s0;
	s0 =	simm.s32 @!p2 $0x0  }
0x16: {  	s3 =	sld [smem:$0x3FDB];
	s0 =	simm.s32 @p2 $0x1  }
0x17: {  	s4 =	simm.s32 $0x1BF5;
	[smem:$0x3FB6] =	sst s0  }
0x18: {  	s0 =	sld [smem:$0x3F99];
	_ =	swait.ge [sflag:s4], $0x0  }
0x19: {  	s7 =	sld [smem:$0x3F9A]  }
0x1a: {  	s8 =	sadd.s32 $0xFFFFE003, lr  }
0x1b: {  	s9 =	sadd.s32 $0xFFFFFEF7, lr;
	s5 =	simm.s32 $0xFFFFFFFF;
	p2 =	slt.u32 s8, $0xFFFFF086  }
0x1c: {  	p1 =	slt.u32 s9, $0xF7A;
	s5 =	simm.s32 @!p2 $0x0  }
0x1d: {  	s5 =	simm.s32 @p1 $0x1;
	p0 =	seq.s32 s7, s2  }
0x1e: {  	s7 =	smul.u32 @!p0 $0xF7A, s2;
	p2 =	seq.s32 @!p0 s5, $0x0  }
0x1f: {  	s9 =	smul.u32 $0xF7A, s1;
	s8 =	simm.s32 @!p0 $0x1BF5;
	p2 =	por !p2, p0  }
0x20: {  	[sflag:s8] =	ssyncset.s32 @!p0 $0xFFFFF086;
	s6 =	sadd.s32 @!p0 s3, s7;
	s7 =	simm.s32 @!p0 $0x108  }
0x21: {  	s3 =	sadd.s32 s3, s9;
	s6 =	sadd.s32 @!p0 $0x88, s6;
	s7 =	simm.s32 @p2 $0x1082  }
0x22: {  	[simem:s7], [sflag:s8] =	dma.local @!p0 [hbm:s6], $0xF7A  }
0x23: {  	s9 =	sor.u32 $0xD0000000, s2;
	s6 =	simm.s32 $0x108;
	_ =	swait.ge @!p0 [sflag:s8], $0x0  }
0x24: {  	s3 =	sadd.s32 $0x88, s3;
	s6 =	simm.s32 @!p1 $0x1082;
	[sflag:s4] =	ssyncset.s32 $0xFFFFF086  }
0x25: {  	[simem:s6], [sflag:s4] =	dma.local [hbm:s3], $0xF7A  }
0x26: {  	[smem:$0x3F9A] =	sst s1;
	(tag) =	ssettag s2;
	_ =	strace s9  }
0x27: {  	s1 =	sld [smem:$0x3FAA]  }
0x28: {  	s2 =	sld [smem:$0x3FAB]  }
0x29: {  	s4 =	sld [smem:$0x3FAD]  }
0x2a: {  	p0 =	seq.s32 s5, $0x0;
	s5 =	sld [smem:$0x3FAE]  }
0x2b: {  	s6 =	sld [smem:$0x3FAF]  }
0x2c: {  	s7 =	sld [smem:$0x3FB0]  }
0x2d: {  	s3 =	simm.s32 $0x108;
	s8 =	sld [smem:$0x3FB1]  }
0x2e: {  	s3 =	simm.s32 @!p0 $0x1082;
	s9 =	sld [smem:$0x3FB2]  }
0x2f: {  	lr =	sadd.s32 s0, s3;
	s0 =	sld [smem:$0x3FA9]  }
0x30: {  	s3 =	sld [smem:$0x3FAC]  }
0x31: {  	[smem:$0x3FB5] =	sst s10  }
0x32: {  	s10 =	sld [smem:$0x3FB3];
	_ =	sdelay $0x3  }
0x33: {  	p0 =	seq.s32 s10, $0x1;
	s10 =	sld [smem:$0x3FB5];
	_ =	sdelay $0x3  }
0x34: {  	[smem:$0x3FB5] =	sst s10  }
0x35: {  	s10 =	sld [smem:$0x3FB4];
	_ =	sdelay $0x3  }
0x36: {  	p1 =	seq.s32 s10, $0x1;
	s10 =	sld [smem:$0x3FB5];
	_ =	sdelay $0x3  }
0x37: {  	[smem:$0x3FB5] =	sst s10  }
0x38: {  	s10 =	sld [smem:$0x3FB6]  }
0x39: {  	_ = 	snop;
	(pc) =	sbr.ind lr, $3  }
0x3a: {  	_ = 	snop  }
0x3b: {  	_ = 	snop  }
0x3c: {  	p2 =	seq.s32 s10, $0x1;
	s10 =	sld [smem:$0x3FB5]  }
0x3d: {  	_ =	shalt  }
0x3e: {  	_ =	shalt  }
0x3f: {  	_ =	shalt  }
0x40: {  	_ =	shalt  }
0x41: {  	_ =	shalt  }
0x42: {  	_ =	shalt  }
0x43: {  	_ =	shalt  }
0x44: {  	_ =	shalt  }
0x45: {  	_ =	shalt  }
0x46: {  	_ =	shalt  }
0x47: {  	_ =	shalt  }
0x48: {  	_ =	shalt  }
0x49: {  	_ =	shalt  }
0x4a: {  	_ =	shalt  }
0x4b: {  	_ =	shalt  }
0x4c: {  	_ =	shalt  }
0x4d: {  	_ =	shalt  }
0x4e: {  	_ =	shalt  }
0x4f: {  	_ =	shalt  }
0x50: {  	_ =	shalt  }
0x51: {  	_ =	shalt  }
0x52: {  	_ =	shalt  }
0x53: {  	_ =	shalt  }
0x54: {  	_ =	shalt  }
0x55: {  	_ =	shalt  }
0x56: {  	_ =	shalt  }
0x57: {  	_ =	shalt  }
0x58: {  	_ =	shalt  }
0x59: {  	_ =	shalt  }
0x5a: {  	_ =	shalt  }
0x5b: {  	_ =	shalt  }
0x5c: {  	_ =	shalt  }
0x5d: {  	_ =	shalt  }
0x5e: {  	_ =	shalt  }
0x5f: {  	_ =	shalt  }
0x60: {  	_ =	shalt  }
0x61: {  	_ =	shalt  }
0x62: {  	_ =	shalt  }
0x63: {  	_ =	shalt  }
0x64: {  	_ =	shalt  }
0x65: {  	_ =	shalt  }
0x66: {  	_ =	shalt  }
0x67: {  	_ =	shalt  }
0x68: {  	_ =	shalt  }
0x69: {  	_ =	shalt  }
0x6a: {  	_ =	shalt  }
0x6b: {  	_ =	shalt  }
0x6c: {  	_ =	shalt  }
0x6d: {  	_ =	shalt  }
0x6e: {  	_ =	shalt  }
0x6f: {  	_ =	shalt  }
0x70: {  	_ =	shalt  }
0x71: {  	_ =	shalt  }
0x72: {  	_ =	shalt  }
0x73: {  	_ =	shalt  }
0x74: {  	_ =	shalt  }
0x75: {  	_ =	shalt  }
0x76: {  	_ =	shalt  }
0x77: {  	_ =	shalt  }
0x78: {  	_ =	shalt  }
0x79: {  	_ =	shalt  }
0x7a: {  	_ =	shalt  }
0x7b: {  	_ =	shalt  }
0x7c: {  	_ =	shalt  }
0x7d: {  	_ =	shalt  }
0x7e: {  	_ =	shalt  }
0x7f: {  	_ =	shalt  }
0x80: {  	_ =	shalt  }
0x81: {  	_ =	shalt  }
0x82: {  	_ =	shalt  }
0x83: {  	_ =	shalt  }
0x84: {  	_ =	shalt  }
0x85: {  	_ =	shalt  }
0x86: {  	_ =	shalt  }
0x87: {  	_ =	shalt  }
.Lfunc_end0:
.L_simem_size_0:
called_computation_lowered:
.L_overlay_start_0:
0x88: {  	s2 =	sld [smem:$0x3FD9]  }
0x89: {  	s3 =	sld [smem:$0x3FFE];
	_ =	sdelay $0x1  }
0x8a: {  	s1 =	srdreg.scid  }
0x8b: {  	s0 =	sand.u32 $0x1, s1  }
0x8c: {  	s16 =	sshll.u32 s0, $0xA;
	s2 =	sadd.s32 s3, s2  }
0x8d: {  	s2 =	sadd.s32 s2, s16  }
0x8e: {  	[smem:$0x3FC1] =	sst s2  }
0x8f: {  	_ = 	snop  }
0x90: {  	(tm) =	ssettm $0x1  }
0x91: {  	s17 =	sld [smem:$0x3FFB];
	_ =	sdelay $0x3  }
0x92: {  	_ =	strace s17  }
0x93: {  	s2 =	sld [smem:$0x3FFC];
	_ =	sdelay $0x3  }
0x94: {  	_ =	strace s2  }
0x95: {  	s2 =	sld [smem:$0x3FFD];
	_ =	sdelay $0x3  }
0x96: {  	_ =	strace s2  }
0x97: {  	_ =	strace $0x8FFFFFFF  }
0x98: {  	s18 =	sld [smem:$0x3FDB];
	_ =	sdelay $0x1  }
0x99: {  	s19 =	simm.s32 $_scs_section_size  }
0x9a: {  	s4 =	simm.s32 $_size__tile_overlayer_lowered;
	s5 =	simm.s32 $_tile_overlayer_lowered  }
0x9b: {  	s22 =	simm.s32 $0x1BFF;
	s21 =	sshll.u32 s5, $0x1;
	s2 =	sadd.s32 s19, s18  }
0x9c: {  	s6 =	simm.s32 $0x0;
	s20 =	sshll.u32 s4, $0x1;
	s4 =	sadd.s32 s21, s2  }
0x9d: {  	[timem:s6], [sflag:s22] =	dma.local [hbm:s4], s20  }
0x9e: {  	_ =	swait.ge [sflag:s22], s20  }
0x9f: {  	s3 =	ssub.s32 $0x0, s20;
	[sflag:s22] =	ssyncset.done $0x0  }
0xa0: {  	[sflag:s22] =	ssyncadd.s32 s3;
	_ =	sdelay $0x1  }
0xa1: {  	s23 =	simm.s32 $0x1B8B  }
0xa2: {  	_ =	swait.ge [sflag:s23], $0x1  }
0xa3: {  	[sflag:s23] =	ssyncset.done $0x0  }
0xa4: {  	s25 =	simm.s32 $0x1B8E;
	s24 =	sld [smem:$0x3FFE];
	[sflag:s23] =	ssyncadd.s32 $0xFFFFFFFF  }
0xa5: {  	s26 =	simm.s32 $execute0_lowered;
	[smem:$0x3FD2] =	sst s25  }
0xa6: {  	s4 =	sshll.u32 s26, $0x1;
	_ =	strace $0x80000046;
	[dreg:$0x1] =	wrdreg $0xFFFFFFFF  }
0xa7: {  	s28 =	simm.s32 $_size_execute0_lowered;
	s2 =	sadd.s32 s2, s4;
	[dreg:$0x0] =	wrdreg $0x0  }
0xa8: {  	s4 =	sshll.u32 s28, $0x1;
	[dreg:$0x2] =	wrdreg s2  }
0xa9: {  	[dreg:$0x3] =	wrdreg s4  }
0xaa: {  	[dreg:$0x4] =	wrdreg $0xC0  }
0xab: {  	_ =	task [dreg:s6], $0x5FFFF  }
0xac: {  	[dreg:$0x1] =	wrdreg $0xFFFFFFFF  }
0xad: {  	[dreg:$0x0] =	wrdreg $0x60  }
0xae: {  	[dreg:$0x2] =	wrdreg s24  }
0xaf: {  	[dreg:$0x3] =	wrdreg $0x120000  }
0xb0: {  	[dreg:$0x4] =	wrdreg $0x9  }
0xb1: {  	_ =	task.clear_ibuf [dreg:s6], $0x5FFFF;
	_ =	strace $0x90000046  }
0xb2: {  	s29 =	simm.s32 $0x9;
	_ =	strace $0x80000048  }
0xb3: {  	_ =	swait.ge [sflag:s29], $0x1  }
0xb4: {  	[sflag:s29] =	ssyncadd.s32 $0xFFFFFFFF  }
0xb5: {  	_ =	strace $0x90000048  }
0xb6: {  	_ =	sfence  }
0xb7: {  	s30 =	sld [smem:$0x0];
	_ =	sdelay $0x2  }
0xb8: {  	s31 =	sshll.u32 s1, $0xD;
	s1 =	sshrl.u32 s1, $0x2  }
0xb9: {  	s3 =	sand.u32 $0x4000, s31;
	s1 =	sadd.s32 s1, s30  }
0xba: {  	s0 =	sor.u32 s3, s0;
	s1 =	sshll.u32 s1, $0x11  }
0xbb: {  	s0 =	sor.u32 s1, s0  }
0xbc: {  	s0 =	sadd.s32 $0x8F2B, s0  }
0xbd: {  	[sflag:s0] =	ssyncadd.remote.s32 $0x1  }
0xbe: {  	_ =	sfence.sel $0xFFFF  }
0xbf: {  	[dreg:$0x0] =	wrdreg $0xFFFFFFFF;
	(pc) =	sbr.abs _section_cstart, $3  }
0xc0: {  	[dreg:$0x1] =	wrdreg $0xFFFFFFFF  }
0xc1: {  	_ =	task.clear_ibuf [dreg:s6], $0x2FFFF;
	_ =	strace $0x9FFFFFFF  }
0xc2: {  	(tm) =	ssettm $0x7FFFFFFF  }
0xc3: {  	_ =	shalt  }
tec
execute0_lowered:
.L_overlay_start_1:
0x0: {  	(tag) =	ssettag $0x1  }
0x1: {  	s0 =	rddreg [dreg:$0x0]  }
0x2: {  	s2 =	rddreg [dreg:$0x1]  }
0x3: {  	s1 =	srdreg.scid;
	s3 =	simm.s32 $0x0;
	s10 =	stileid.u32  }
0x4: {  	s16 =	simm.s32 $0x80;
	s17 =	simm.s32 $0x2000;
	s18 =	simm.s32 $0x6000  }
0x5: {  	s20 =	simm.s32 $0xA000;
	s22 =	simm.s32 $0xE000;
	s23 =	simm.s32 $0x1  }
0x6: {  	s24 =	simm.s32 $0x2;
	s25 =	simm.s32 $0x3;
	s28 =	simm.s32 $0x5  }
0x7: {  	s29 =	simm.s32 $0x6;
	s30 =	simm.s32 $0x7;
	s31 =	simm.s32 $0x8  }
0x8: {  	s19 =	simm.s32 $0x1F80;
	s21 =	simm.s32 $0x0;
	s1 =	sand.u32 $0x1, s1  }
0x9: {  	[smem:$0x7FF] =	sst s3;
	s8 =	sshll.u32 s10, $0xC;
	s9 =	sshll.u32 s10, $0x8  }
0xa: {  	s10 =	sshll.u32 s10, $0xF;
	s4 =	sshll.u32 s1, $0x10;
	_ =	strace $0x80000047  }
0xb: {  	s6 =	ssub.s32 $0x2, s1;
	s11 =	sor.u32 $0x80, s9;
	s1 =	sshll.u32 s1, $0x13  }
0xc: {  	s5 =	sor.u32 s8, s4;
	s4 =	sadd.s32 $0x1C00, s0;
	s26 =	sshrl.u32 s6, $0x1  }
0xd: {  	s12 =	sshll.u32 s11, $0x7;
	s11 =	sshll.u32 s11, $0x4;
	s5 =	sshrl.u32 s5, $0x3  }
0xe: {  	s13 =	ssub.s32 s6, s26;
	s8 =	sadd.s32 s4, s8;
	s9 =	sadd.s32 s12, s2  }
0xf: {  	s26 =	simm.s32 $0x4;
	s7 =	sadd.s32 s5, s0;
	s0 =	sadd.s32 $0x19C00, s0  }
0x10: {  	s13 =	smax.u32 s13, $0x1;
	s5 =	sadd.s32 $0x11C00, s7;
	s6 =	sadd.s32 $0x15C00, s7  }
0x11: {  	s7 =	sadd.s32 s10, s2;
	s10 =	sor.u32 s10, s1;
	s1 =	sor.u32 s1, s12  }
0x12: {  	s14 =	sshrl.u32 s10, $0x3;
	s10 =	sadd.s32 s4, s11;
	s1 =	sshrl.u32 s1, $0x3  }
0x13: {  	s11 =	sadd.s32 s0, s14;
	s12 =	sadd.s32 s0, s1;
	s14 =	simm.s32 $0x9  }
.LBB2_1:
0x14: {  	[tilespmem:s3], [sflag:$0x9] =	stream.linear.gather [hbm4b:s5+s3], $0x1000, $0x38;
	[tilespmem:$0x1A040] =	vst v63  }
0x15: {  	_ =	swait.ge [sflag:s14], $0x1000  }
0x16: {  	[sflag:s14] =	ssyncset.done $0x0  }
0x17: {  	s0 =	simm.s32 $0x1000;
	[sflag:s14] =	ssyncadd.s32 $0xFFFFF000  }
0x18: {  	[tilespmem:s0], [sflag:$0x9] =	stream.linear.gather [hbm4b:s6+s3], $0x1000, $0x38;
	[tilespmem:$0x1A040] =	vst v63  }
0x19: {  	_ =	swait.ge [sflag:s14], $0x1000  }
0x1a: {  	[sflag:s14] =	ssyncset.done $0x0  }
0x1b: {  	[sflag:s14] =	ssyncadd.s32 $0xFFFFF000  }
0x1c: {  	[tilespmem:s17], [sflag:$0x1] =	stream.indirect.gather [hbm4b:s4+s16], $0x80, s3, s16, $0xb8;
	[tilespmem:$0x1A040] =	vst v63  }
0x1d: {  	_ = 	snop  }
0x1e: {  	[tilespmem:s18], [sflag:$0x2] =	stream.indirect.gather [hbm4b:s4+s16], $0x80, s16, s16, $0xb8;
	[tilespmem:$0x1A040] =	vst v63  }
0x1f: {  	s1 =	simm.s32 $0x100  }
0x20: {  	[tilespmem:s20], [sflag:$0x3] =	stream.indirect.gather [hbm4b:s4+s16], $0x80, s1, s16, $0xb8;
	[tilespmem:$0x1A040] =	vst v63  }
0x21: {  	s1 =	stileid.u32  }
0x22: {  	s15 =	simm.s32 $0x180;
	s0 =	sshll.u32 s1, $0x6  }
0x23: {  	[tilespmem:s22], [sflag:$0x4] =	stream.indirect.gather [hbm4b:s4+s16], $0x80, s15, s16, $0xb8;
	[tilespmem:$0x1A040] =	vst v63  }
0x24: {  	s1 =	sshrl.u32 s7, $0x3;
	s0 =	sor.u32 $0x1C09, s0  }
0x25: {  	[spmem:s1], [sflag:s0] =	dma.local [hbm:s8], $0x800  }
0x26: {  	_ =	swait.ge [sflag:s14], $0x800  }
0x27: {  	[sflag:s14] =	ssyncset.done $0x0  }
0x28: {  	s15 =	sshrl.u32 s9, $0x3;
	[sflag:s14] =	ssyncadd.s32 $0xFFFFF800  }
0x29: {  	[spmem:s15], [sflag:s0] =	dma.local [hbm:s10], $0x800  }
0x2a: {  	_ =	swait.ge [sflag:s14], $0x800  }
0x2b: {  	[sflag:s14] =	ssyncset.done $0x0  }
0x2c: {  	[sflag:s14] =	ssyncadd.s32 $0xFFFFF800  }
0x2d: {  	[bflag:$0x0] =	sbarrier.arrive $0xFFFF  }
0x2e: {  	_ =	swait.ge [sflag:s23], $0x4000  }
0x2f: {  	[sflag:s23] =	ssyncset.done $0x0  }
0x30: {  	s15 =	simm.s32 $0x1000;
	[sflag:s23] =	ssyncadd.s32 $0xFFFFC000  }
0x31: {  	[spmem:s2] =	stream.indirect.scatter.add.f32 [tilespmem:s17], [sflag:$0x5], $0x80, s15, s16, $0xb8;
	[tilespmem:$0x1A040] =	vst v63  }
0x32: {  	_ =	swait.ge [sflag:s24], $0x4000  }
0x33: {  	[sflag:s24] =	ssyncset.done $0x0  }
0x34: {  	s1 =	simm.s32 $0x1080;
	[sflag:s24] =	ssyncadd.s32 $0xFFFFC000  }
0x35: {  	[spmem:s2] =	stream.indirect.scatter.add.f32 [tilespmem:s18], [sflag:$0x6], $0x80, s1, s16, $0xb8;
	[tilespmem:$0x1A040] =	vst v63  }
0x36: {  	_ =	swait.ge [sflag:s25], $0x4000  }
0x37: {  	[sflag:s25] =	ssyncset.done $0x0  }
0x38: {  	s15 =	simm.s32 $0x1100;
	[sflag:s25] =	ssyncadd.s32 $0xFFFFC000  }
0x39: {  	[spmem:s2] =	stream.indirect.scatter.add.f32 [tilespmem:s20], [sflag:$0x7], $0x80, s15, s16, $0xb8;
	[tilespmem:$0x1A040] =	vst v63  }
0x3a: {  	_ =	swait.ge [sflag:s26], $0x4000  }
0x3b: {  	[sflag:s26] =	ssyncset.done $0x0  }
0x3c: {  	s1 =	simm.s32 $0x1180;
	[sflag:s26] =	ssyncadd.s32 $0xFFFFC000  }
0x3d: {  	[spmem:s2] =	stream.indirect.scatter.add.f32 [tilespmem:s22], [sflag:$0x8], $0x80, s1, s16, $0xb8;
	[tilespmem:$0x1A040] =	vst v63  }
0x3e: {  	_ =	swait.ge [sflag:s28], $0x4000  }
0x3f: {  	[sflag:s28] =	ssyncset.done $0x0  }
0x40: {  	s15 =	simm.s32 $0x200;
	[sflag:s28] =	ssyncadd.s32 $0xFFFFC000  }
0x41: {  	[tilespmem:s17], [sflag:$0x1] =	stream.indirect.gather [hbm4b:s4+s16], $0x80, s15, s16, $0xb8;
	[tilespmem:$0x1A040] =	vst v63  }
0x42: {  	_ =	swait.ge [sflag:s29], $0x4000  }
0x43: {  	[sflag:s29] =	ssyncset.done $0x0  }
0x44: {  	s1 =	simm.s32 $0x280;
	[sflag:s29] =	ssyncadd.s32 $0xFFFFC000  }
0x45: {  	[tilespmem:s18], [sflag:$0x2] =	stream.indirect.gather [hbm4b:s4+s16], $0x80, s1, s16, $0xb8;
	[tilespmem:$0x1A040] =	vst v63  }
0x46: {  	_ =	swait.ge [sflag:s30], $0x4000  }
0x47: {  	[sflag:s30] =	ssyncset.done $0x0  }
0x48: {  	s15 =	simm.s32 $0x300;
	[sflag:s30] =	ssyncadd.s32 $0xFFFFC000  }
0x49: {  	[tilespmem:s20], [sflag:$0x3] =	stream.indirect.gather [hbm4b:s4+s16], $0x80, s15, s16, $0xb8;
	[tilespmem:$0x1A040] =	vst v63  }
0x4a: {  	_ =	swait.ge [sflag:s31], $0x4000  }
0x4b: {  	[sflag:s31] =	ssyncset.done $0x0  }
0x4c: {  	s0 =	simm.s32 $0x800;
	s1 =	simm.s32 $0x380;
	[sflag:s31] =	ssyncadd.s32 $0xFFFFC000  }
.LBB2_2:
0x4d: {  	[tilespmem:s22], [sflag:$0x4] =	stream.indirect.gather [hbm4b:s4+s16], $0x80, s1, s16, $0xb8;
	[tilespmem:$0x1A040] =	vst v63  }
0x4e: {  	s1 =	smov.u32 s0  }
0x4f: {  	p0 =	sne.s32 s0, $0x3000;
	s0 =	sadd.s32 $0x800, s0;
	_ =	swait.ge [sflag:s23], $0x4000  }
0x50: {  	s1 =	sshra.s32 s1, $0x2;
	[sflag:s23] =	ssyncset.done $0x0  }
0x51: {  	s15 =	sadd.s32 $0x1000, s1;
	[sflag:s23] =	ssyncadd.s32 $0xFFFFC000  }
0x52: {  	[spmem:s2] =	stream.indirect.scatter.add.f32 [tilespmem:s17], [sflag:$0x5], $0x80, s15, s16, $0xb8;
	[tilespmem:$0x1A040] =	vst v63  }
0x53: {  	_ =	swait.ge [sflag:s24], $0x4000  }
0x54: {  	[sflag:s24] =	ssyncset.done $0x0  }
0x55: {  	s15 =	sadd.s32 $0x1080, s1;
	[sflag:s24] =	ssyncadd.s32 $0xFFFFC000  }
0x56: {  	[spmem:s2] =	stream.indirect.scatter.add.f32 [tilespmem:s18], [sflag:$0x6], $0x80, s15, s16, $0xb8;
	[tilespmem:$0x1A040] =	vst v63  }
0x57: {  	_ =	swait.ge [sflag:s25], $0x4000  }
0x58: {  	[sflag:s25] =	ssyncset.done $0x0  }
0x59: {  	s15 =	sadd.s32 $0x1100, s1;
	[sflag:s25] =	ssyncadd.s32 $0xFFFFC000  }
0x5a: {  	[spmem:s2] =	stream.indirect.scatter.add.f32 [tilespmem:s20], [sflag:$0x7], $0x80, s15, s16, $0xb8;
	[tilespmem:$0x1A040] =	vst v63  }
0x5b: {  	_ =	swait.ge [sflag:s26], $0x4000  }
0x5c: {  	[sflag:s26] =	ssyncset.done $0x0  }
0x5d: {  	s15 =	sadd.s32 $0x1180, s1;
	[sflag:s26] =	ssyncadd.s32 $0xFFFFC000  }
0x5e: {  	[spmem:s2] =	stream.indirect.scatter.add.f32 [tilespmem:s22], [sflag:$0x8], $0x80, s15, s16, $0xb8;
	[tilespmem:$0x1A040] =	vst v63  }
0x5f: {  	_ =	swait.ge [sflag:s28], $0x4000  }
0x60: {  	[sflag:s28] =	ssyncset.done $0x0  }
0x61: {  	s15 =	sadd.s32 $0x200, s1;
	[sflag:s28] =	ssyncadd.s32 $0xFFFFC000  }
0x62: {  	[tilespmem:s17], [sflag:$0x1] =	stream.indirect.gather [hbm4b:s4+s16], $0x80, s15, s16, $0xb8;
	[tilespmem:$0x1A040] =	vst v63  }
0x63: {  	_ =	swait.ge [sflag:s29], $0x4000  }
0x64: {  	[sflag:s29] =	ssyncset.done $0x0  }
0x65: {  	s15 =	sadd.s32 $0x280, s1;
	[sflag:s29] =	ssyncadd.s32 $0xFFFFC000  }
0x66: {  	[tilespmem:s18], [sflag:$0x2] =	stream.indirect.gather [hbm4b:s4+s16], $0x80, s15, s16, $0xb8;
	[tilespmem:$0x1A040] =	vst v63  }
0x67: {  	_ =	swait.ge [sflag:s30], $0x4000  }
0x68: {  	[sflag:s30] =	ssyncset.done $0x0  }
.Ltmp0:
0x69: {  	s15 =	sadd.s32 $0x300, s1;
	[sflag:s30] =	ssyncadd.s32 $0xFFFFC000;
	(pc) =	sbr.rel @p0 .LBB2_2-.Ltmp0, $4  }
0x6a: {  	[tilespmem:s20], [sflag:$0x3] =	stream.indirect.gather [hbm4b:s4+s16], $0x80, s15, s16, $0xb8;
	[tilespmem:$0x1A040] =	vst v63  }
0x6b: {  	_ =	swait.ge [sflag:s31], $0x4000  }
0x6c: {  	[sflag:s31] =	ssyncset.done $0x0  }
0x6d: {  	s1 =	sadd.s32 $0x380, s1;
	[sflag:s31] =	ssyncadd.s32 $0xFFFFC000  }
0x6e: {  	[tilespmem:s22], [sflag:$0x4] =	stream.indirect.gather [hbm4b:s4+s16], $0x80, s1, s16, $0xb8;
	[tilespmem:$0x1A040] =	vst v63  }
0x6f: {  	_ =	swait.ge [sflag:s23], $0x4000  }
0x70: {  	[sflag:s23] =	ssyncset.done $0x0  }
0x71: {  	s0 =	simm.s32 $0x1E00;
	[sflag:s23] =	ssyncadd.s32 $0xFFFFC000  }
0x72: {  	[spmem:s2] =	stream.indirect.scatter.add.f32 [tilespmem:s17], [sflag:$0x5], $0x80, s0, s16, $0xb8;
	[tilespmem:$0x1A040] =	vst v63  }
0x73: {  	_ =	swait.ge [sflag:s24], $0x4000  }
0x74: {  	[sflag:s24] =	ssyncset.done $0x0  }
0x75: {  	s1 =	simm.s32 $0x1E80;
	[sflag:s24] =	ssyncadd.s32 $0xFFFFC000  }
0x76: {  	[spmem:s2] =	stream.indirect.scatter.add.f32 [tilespmem:s18], [sflag:$0x6], $0x80, s1, s16, $0xb8;
	[tilespmem:$0x1A040] =	vst v63  }
0x77: {  	_ =	swait.ge [sflag:s25], $0x4000  }
0x78: {  	[sflag:s25] =	ssyncset.done $0x0  }
0x79: {  	s15 =	simm.s32 $0x1F00;
	[sflag:s25] =	ssyncadd.s32 $0xFFFFC000  }
0x7a: {  	[spmem:s2] =	stream.indirect.scatter.add.f32 [tilespmem:s20], [sflag:$0x7], $0x80, s15, s16, $0xb8;
	[tilespmem:$0x1A040] =	vst v63  }
0x7b: {  	_ =	swait.ge [sflag:s26], $0x4000  }
0x7c: {  	[sflag:s26] =	ssyncset.done $0x0  }
0x7d: {  	[sflag:s26] =	ssyncadd.s32 $0xFFFFC000  }
0x7e: {  	[spmem:s2] =	stream.indirect.scatter.add.f32 [tilespmem:s22], [sflag:$0x8], $0x80, s19, s16, $0xb8;
	[tilespmem:$0x1A040] =	vst v63  }
0x7f: {  	_ =	swait.ge [sflag:s28], $0x4000  }
0x80: {  	[sflag:s28] =	ssyncset.done $0x0  }
0x81: {  	[sflag:s28] =	ssyncadd.s32 $0xFFFFC000  }
0x82: {  	_ =	swait.ge [sflag:s29], $0x4000  }
0x83: {  	[sflag:s29] =	ssyncset.done $0x0  }
0x84: {  	[sflag:s29] =	ssyncadd.s32 $0xFFFFC000  }
0x85: {  	_ =	swait.ge [sflag:s30], $0x4000  }
0x86: {  	[sflag:s30] =	ssyncset.done $0x0  }
0x87: {  	[sflag:s30] =	ssyncadd.s32 $0xFFFFC000  }
0x88: {  	_ =	swait.ge [sflag:s31], $0x4000  }
0x89: {  	[sflag:s31] =	ssyncset.done $0x0  }
0x8a: {  	[sflag:s31] =	ssyncadd.s32 $0xFFFFC000  }
0x8b: {  	[bflag:$0x0] =	sbarrier.arrive $0xFFFF  }
0x8c: {  	[tilespmem:s17], [sflag:$0x9] =	stream.linear.gather [spmem:s7], $0x4000, $0x38;
	[tilespmem:$0x1A040] =	vst v63  }
0x8d: {  	_ =	swait.ge [sflag:s14], $0x4000  }
0x8e: {  	[sflag:s14] =	ssyncset.done $0x0  }
0x8f: {  	[sflag:s14] =	ssyncadd.s32 $0xFFFFC000  }
0x90: {  	[hbm4b:s11+s3] =	stream.linear.scatter [tilespmem:s17], [sflag:$0x9], $0x4000, $0x38;
	[tilespmem:$0x1A040] =	vst v63  }
0x91: {  	_ =	swait.ge [sflag:s14], $0x4000  }
0x92: {  	[sflag:s14] =	ssyncset.done $0x0  }
0x93: {  	[sflag:s14] =	ssyncadd.s32 $0xFFFFC000  }
0x94: {  	[tilespmem:s17], [sflag:$0x9] =	stream.linear.gather [spmem:s9], $0x4000, $0x38;
	[tilespmem:$0x1A040] =	vst v63  }
0x95: {  	s21 =	sadd.s32 $0x1, s21;
	_ =	swait.ge [sflag:s14], $0x4000  }
0x96: {  	p0 =	sne.s32 s21, s13;
	[sflag:s14] =	ssyncset.done $0x0  }
.Ltmp1:
0x97: {  	[sflag:s14] =	ssyncadd.s32 $0xFFFFC000;
	(pc) =	sbr.rel @p0 .LBB2_1-.Ltmp1, $4  }
0x98: {  	[hbm4b:s12+s3] =	stream.linear.scatter [tilespmem:s17], [sflag:$0x9], $0x4000, $0x38;
	[tilespmem:$0x1A040] =	vst v63  }
0x99: {  	_ =	swait.ge [sflag:s14], $0x4000  }
0x9a: {  	[sflag:s14] =	ssyncset.done $0x0  }
0x9b: {  	[sflag:s14] =	ssyncadd.s32 $0xFFFFC000  }
0x9c: {  	_ =	sfence.sel $0x180000  }
0x9d: {  	[bflag:$0x0] =	sbarrier.arrive $0xFFFF  }
0x9e: {  	_ =	strace $0x90000047  }
0x9f: {  	s0 =	stileid.u32;
	[bflag:$0x2] =	sbarrier.arrive $0xFFFF  }
0xa0: {  	p0 =	sne.s32 s0, $0x0;
	s0 =	rddreg [dreg:$0x2]  }
0xa1: {  	s0 =	sadd.s32 @!p0 $0x100000, s0  }
0xa2: {  	[sflag:s0] =	ssyncadd.tile.s32 @!p0 $0x1;
	_ =	shalt  }
.Lfunc_end2:
_tile_overlayer_lowered:
.L_overlay_start_2:
0xa3: {  	(tag) =	ssettag $0x2  }
0xa4: {  	s0 =	rddreg [dreg:$0x0];
	s2 =	stileid.u32  }
0xa5: {  	s1 =	rddreg [dreg:$0x1];
	p0 =	sne.s32 s2, $0x0  }
0xa6: {  	s3 =	rddreg [dreg:$0x2];
	[bflag:$0x3] =	sbarrier.arrive $0xFFFF;
	s2 =	simm.s32 @!p0 $0x1C09  }
0xa7: {  	[timem:s3], [sflag:s2] =	dma.local @!p0 [hbm:s0], s1  }
0xa8: {  	s0 =	simm.s32 @!p0 $0x9  }
0xa9: {  	_ =	swait.ge @!p0 [sflag:s0], s1  }
0xaa: {  	s1 =	ssub.s32 @!p0 $0x0, s1;
	[sflag:s0] =	ssyncset.done @!p0 $0x0  }
0xab: {  	[sflag:s0] =	ssyncadd.s32 @!p0 s1  }
0xac: {  	[bflag:$0x3] =	sbarrier.arrive $0xFFFF  }
0xad: {  	_ =	shalt  }

</sc_bundles>
